<compile_context>
chip_gen: v7x
topology: tpu7x:2x2x1
jax: 0.10.2.dev20260603
libtpu: 0.0.44.dev20260713+nightly
codegen_flags: <defaults>
</compile_context>

<pallas_src>
import functools

import jax
import jax.numpy as jnp
from jax import lax
from jax.experimental import pallas as pl
from jax.experimental.pallas import tpu as pltpu
from jax.experimental.pallas import tpu_sc as plsc

BATCH = 4096
MAXLEN = 200
EMB = 64
PADE = 128

NUM_CORES = 2
NUM_SUBCORES = 16
NUM_WORKERS = NUM_CORES * NUM_SUBCORES
ROWS_PER_WORKER = BATCH // NUM_WORKERS
G1 = 128
G2 = MAXLEN - G1
LANES = 16
VECS_PER_ROW = EMB // LANES


def _sc_body(x_hbm, tab_hbm, pos_hbm, out_hbm, pos_v,
             idx_a, idx_b, ga, gb, oa, ob, si_a, si_b, sg_a, sg_b,
             ss_a, ss_b):
    c = lax.axis_index("c")
    s = lax.axis_index("s")
    wid = s * NUM_CORES + c
    bstart = wid * ROWS_PER_WORKER

    idx = (idx_a, idx_b)
    gbuf = (ga, gb)
    obuf = (oa, ob)
    si = (si_a, si_b)
    sg = (sg_a, sg_b)
    ss = (ss_a, ss_b)

    pltpu.sync_copy(pos_hbm, pos_v)

    def start_idx(g, p):
        pltpu.async_copy(x_hbm.at[bstart + g], idx[p], si[p])

    def wait_idx(g, p):
        pltpu.make_async_copy(x_hbm.at[bstart + g], idx[p], si[p]).wait()

    def start_gather(p):
        pltpu.async_copy(tab_hbm.at[idx[p].at[pl.ds(0, G1)]],
                         gbuf[p].at[pl.ds(0, G1)], sg[p])
        pltpu.async_copy(tab_hbm.at[idx[p].at[pl.ds(G1, G2)]],
                         gbuf[p].at[pl.ds(G1, G2)], sg[p])

    def wait_gather(p):
        pltpu.make_async_copy(tab_hbm.at[idx[p].at[pl.ds(0, G1)]],
                              gbuf[p].at[pl.ds(0, G1)], sg[p]).wait()
        pltpu.make_async_copy(tab_hbm.at[idx[p].at[pl.ds(G1, G2)]],
                              gbuf[p].at[pl.ds(G1, G2)], sg[p]).wait()

    def start_scatter(g, p):
        pltpu.async_copy(obuf[p], out_hbm.at[bstart + g], ss[p])

    def wait_scatter(g, p):
        pltpu.make_async_copy(obuf[p], out_hbm.at[bstart + g], ss[p]).wait()

    def add_pos(p):
        src = gbuf[p]
        dst = obuf[p]

        @plsc.parallel_loop(0, MAXLEN, step=1, unroll=8)
        def _row(i):
            for j in range(VECS_PER_ROW):
                sl = pl.ds(j * LANES, LANES)
                dst[i, sl] = src[i, sl] + pos_v[i, sl]

    pltpu.sync_copy(x_hbm.at[bstart], idx_a)
    start_idx(1, 1)
    start_gather(0)

    def loop_body(it, carry):
        g0 = it * 2
        for b in range(2):
            g = g0 + b
            p = b
            q = 1 - b
            wait_gather(p)
            pl.when(g + 1 < ROWS_PER_WORKER)(lambda: wait_idx(g + 1, q))
            pl.when(g + 1 < ROWS_PER_WORKER)(lambda: start_gather(q))
            pl.when(g + 2 < ROWS_PER_WORKER)(lambda: start_idx(g + 2, p))
            pl.when(g > 1)(lambda: wait_scatter(g - 2, p))
            add_pos(p)
            start_scatter(g, p)
        return carry

    lax.fori_loop(0, ROWS_PER_WORKER // 2, loop_body, 0)
    wait_scatter(ROWS_PER_WORKER - 2, 0)
    wait_scatter(ROWS_PER_WORKER - 1, 1)


@jax.jit
def kernel(x, token_table, pos_table):
    tab_pad = jnp.pad(token_table, ((0, 0), (0, PADE - EMB)))
    mesh = plsc.VectorSubcoreMesh(core_axis_name="c", subcore_axis_name="s")
    return pl.kernel(
        _sc_body,
        out_type=jax.ShapeDtypeStruct((BATCH, MAXLEN, EMB), jnp.float32),
        mesh=mesh,
        scratch_types=[
            pltpu.VMEM((MAXLEN, EMB), jnp.float32),
            pltpu.VMEM((MAXLEN,), jnp.int32),
            pltpu.VMEM((MAXLEN,), jnp.int32),
            pltpu.VMEM((MAXLEN, PADE), jnp.float32),
            pltpu.VMEM((MAXLEN, PADE), jnp.float32),
            pltpu.VMEM((MAXLEN, EMB), jnp.float32),
            pltpu.VMEM((MAXLEN, EMB), jnp.float32),
            pltpu.SemaphoreType.DMA,
            pltpu.SemaphoreType.DMA,
            pltpu.SemaphoreType.DMA,
            pltpu.SemaphoreType.DMA,
            pltpu.SemaphoreType.DMA,
            pltpu.SemaphoreType.DMA,
        ],
        compiler_params=pltpu.CompilerParams(
            disable_bounds_checks=True,
            disable_semaphore_checks=True,
            skip_device_barrier=True,
        ),
    )(x, tab_pad, pos_table)

# --- scband reference (transcript-rebuilt; emitter-appended) ---
"""Pipeline reference for scband-token-and-position-embedding-37142877176457 (READ-ONLY COPY).

The authoritative reference and input builder live on the scoring server;
editing this copy changes nothing except your own understanding.
"""

import jax, jax.numpy as jnp
import numpy as np

BATCH = 4096
MAXLEN = 200
VOCAB = 100000
EMB = 64

def setup_inputs(seed: int = 0) -> dict:
    key = jax.random.key(seed)
    k1, k2, k3 = jax.random.split(key, 3)
    x = jax.random.randint(k1, (BATCH, MAXLEN), 0, VOCAB, dtype=jnp.int32)
    token_table = jax.random.normal(k2, (VOCAB, EMB), dtype=jnp.float32)
    pos_table = jax.random.normal(k3, (MAXLEN, EMB), dtype=jnp.float32)
    return {"x": x, "token_table": token_table, "pos_table": pos_table}

def reference(x, token_table, pos_table):
    # TokenAndPositionEmbedding.call:
    # positions = pos_emb(range(maxlen)); x = token_emb(x); return x + positions
    maxlen = x.shape[-1]
    positions = jnp.arange(0, maxlen, 1)
    pos_embedded = jnp.take(pos_table, positions, axis=0)          # [L, E]
    tok_embedded = jnp.take(token_table, x, axis=0)                # [B, L, E]
    return tok_embedded + pos_embedded[None, :, :]

if __name__ == "__main__":
    import jax
    _d = setup_inputs()
    print(jax.jit(kernel)(*tuple(_d.values())))

</pallas_src>

<mosaic_0001>
#map = affine_map<(d0, d1) -> (0, 0)>
#map1 = affine_map<(d0, d1) -> (0, 0, 0)>
module attributes {stable_mosaic.version = 14 : i64} {
  func.func @_sc_body(%arg0: i32, %arg1: i32, %arg2: memref<4096x200xi32, #tpu.memory_space<hbm>>, %arg3: memref<100000x128xf32, #tpu.memory_space<hbm>>, %arg4: memref<200x64xf32, #tpu.memory_space<hbm>>, %arg5: memref<4096x200x64xf32, #tpu.memory_space<hbm>>, %arg6: memref<200x64xf32, #tpu.memory_space<vmem>>, %arg7: memref<200xi32, #tpu.memory_space<vmem>>, %arg8: memref<200xi32, #tpu.memory_space<vmem>>, %arg9: memref<200x128xf32, #tpu.memory_space<vmem>>, %arg10: memref<200x128xf32, #tpu.memory_space<vmem>>, %arg11: memref<200x64xf32, #tpu.memory_space<vmem>>, %arg12: memref<200x64xf32, #tpu.memory_space<vmem>>, %arg13: memref<!tpu.dma_semaphore, #tpu.memory_space<semaphore_mem>>, %arg14: memref<!tpu.dma_semaphore, #tpu.memory_space<semaphore_mem>>, %arg15: memref<!tpu.dma_semaphore, #tpu.memory_space<semaphore_mem>>, %arg16: memref<!tpu.dma_semaphore, #tpu.memory_space<semaphore_mem>>, %arg17: memref<!tpu.dma_semaphore, #tpu.memory_space<semaphore_mem>>, %arg18: memref<!tpu.dma_semaphore, #tpu.memory_space<semaphore_mem>>) attributes {dimension_semantics = [#tpu.dimension_semantics<core_parallel>, #tpu.dimension_semantics<subcore_parallel>], iteration_bounds = array<i64: 2, 16>, scalar_prefetch = 0 : i64, scratch_operands = 13 : i64, tpu.core_type = #tpu.core_type<sc_vector_subcore>, window_params = [{transform_indices = #map}, {transform_indices = #map}, {transform_indices = #map}, {transform_indices = #map1}]} {
    %mul3A = arith.constant 2 : i32
    %mul3A_0 = arith.muli %arg1, %mul3A : i32
    %add3A = arith.addi %mul3A_0, %arg0 : i32
    %mul3A_1 = arith.constant 128 : i32
    %mul3A_2 = arith.muli %add3A, %mul3A_1 : i32
    "tpu.region"() ({
      %run_scoped3A = tpu.sem_alloc : memref<!tpu.dma_semaphore, #tpu.memory_space<semaphore_mem>>
      tpu.enqueue_dma source(%arg4 : memref<200x64xf32, #tpu.memory_space<hbm>>) target(%arg6 : memref<200x64xf32, #tpu.memory_space<vmem>>) target_semaphore(%run_scoped3A : memref<!tpu.dma_semaphore, #tpu.memory_space<semaphore_mem>>)
      tpu.wait_dma2 semaphore(%run_scoped3A : memref<!tpu.dma_semaphore, #tpu.memory_space<semaphore_mem>>) src(%arg4 : memref<200x64xf32, #tpu.memory_space<hbm>>) dst(%arg6 : memref<200x64xf32, #tpu.memory_space<vmem>>)
      tpu.yield
    }) : () -> ()
    "tpu.region"() ({
      %run_scoped3A = tpu.sem_alloc : memref<!tpu.dma_semaphore, #tpu.memory_space<semaphore_mem>>
      %dma_start3A_50 = arith.constant 0 : i32
      %dma_start3A_51 = tpu.memref_slice %arg2[%mul3A_2, %dma_start3A_50] : memref<4096x200xi32, #tpu.memory_space<hbm>> -> memref<1x200xi32, #tpu.memory_space<hbm>>
      %dma_start3A_52 = tpu.memref_squeeze %dma_start3A_51 : memref<1x200xi32, #tpu.memory_space<hbm>> -> memref<200xi32, #tpu.memory_space<hbm>>
      %dma_start3A_53 = arith.constant 0 : i32
      %dma_start3A_54 = tpu.memref_slice %arg2[%mul3A_2, %dma_start3A_53] : memref<4096x200xi32, #tpu.memory_space<hbm>> -> memref<1x200xi32, #tpu.memory_space<hbm>>
      %dma_start3A_55 = tpu.memref_squeeze %dma_start3A_54 : memref<1x200xi32, #tpu.memory_space<hbm>> -> memref<200xi32, #tpu.memory_space<hbm>>
      tpu.enqueue_dma source(%dma_start3A_55 : memref<200xi32, #tpu.memory_space<hbm>>) target(%arg7 : memref<200xi32, #tpu.memory_space<vmem>>) target_semaphore(%run_scoped3A : memref<!tpu.dma_semaphore, #tpu.memory_space<semaphore_mem>>)
      %dma_wait3A_56 = arith.constant 0 : i32
      %dma_wait3A_57 = tpu.memref_slice %arg2[%mul3A_2, %dma_wait3A_56] : memref<4096x200xi32, #tpu.memory_space<hbm>> -> memref<1x200xi32, #tpu.memory_space<hbm>>
      %dma_wait3A_58 = tpu.memref_squeeze %dma_wait3A_57 : memref<1x200xi32, #tpu.memory_space<hbm>> -> memref<200xi32, #tpu.memory_space<hbm>>
      %dma_wait3A_59 = arith.constant 0 : i32
      %dma_wait3A_60 = tpu.memref_slice %arg2[%mul3A_2, %dma_wait3A_59] : memref<4096x200xi32, #tpu.memory_space<hbm>> -> memref<1x200xi32, #tpu.memory_space<hbm>>
      %dma_wait3A_61 = tpu.memref_squeeze %dma_wait3A_60 : memref<1x200xi32, #tpu.memory_space<hbm>> -> memref<200xi32, #tpu.memory_space<hbm>>
      tpu.wait_dma2 semaphore(%run_scoped3A : memref<!tpu.dma_semaphore, #tpu.memory_space<semaphore_mem>>) src(%dma_wait3A_61 : memref<200xi32, #tpu.memory_space<hbm>>) dst(%arg7 : memref<200xi32, #tpu.memory_space<vmem>>)
      tpu.yield
    }) : () -> ()
    %add3A_3 = arith.constant 1 : i32
    %add3A_4 = arith.addi %mul3A_2, %add3A_3 : i32
    %dma_start3A = arith.constant 0 : i32
    %dma_start3A_5 = tpu.memref_slice %arg2[%add3A_4, %dma_start3A] : memref<4096x200xi32, #tpu.memory_space<hbm>> -> memref<1x200xi32, #tpu.memory_space<hbm>>
    %dma_start3A_6 = tpu.memref_squeeze %dma_start3A_5 : memref<1x200xi32, #tpu.memory_space<hbm>> -> memref<200xi32, #tpu.memory_space<hbm>>
    %dma_start3A_7 = arith.constant 0 : i32
    %dma_start3A_8 = tpu.memref_slice %arg2[%add3A_4, %dma_start3A_7] : memref<4096x200xi32, #tpu.memory_space<hbm>> -> memref<1x200xi32, #tpu.memory_space<hbm>>
    %dma_start3A_9 = tpu.memref_squeeze %dma_start3A_8 : memref<1x200xi32, #tpu.memory_space<hbm>> -> memref<200xi32, #tpu.memory_space<hbm>>
    tpu.enqueue_dma source(%dma_start3A_9 : memref<200xi32, #tpu.memory_space<hbm>>) target(%arg8 : memref<200xi32, #tpu.memory_space<vmem>>) target_semaphore(%arg14 : memref<!tpu.dma_semaphore, #tpu.memory_space<semaphore_mem>>)
    %dma_start3A_10 = arith.constant 0 : i32
    %dma_start3A_11 = arith.constant 0 : i32
    %dma_start3A_12 = tpu.memref_slice %arg9[%dma_start3A_10, %dma_start3A_11] : memref<200x128xf32, #tpu.memory_space<vmem>> -> memref<128x128xf32, #tpu.memory_space<vmem>>
    %dma_start3A_13 = arith.constant 0 : i32
    %dma_start3A_14 = tpu.memref_slice %arg7[%dma_start3A_13] : memref<200xi32, #tpu.memory_space<vmem>> -> memref<128xi32, #tpu.memory_space<vmem>>
    %dma_start3A_15 = arith.constant 0 : i32
    %dma_start3A_16 = arith.constant 0 : i32
    %dma_start3A_17 = tpu.memref_slice %arg3[%dma_start3A_15, %dma_start3A_16] : memref<100000x128xf32, #tpu.memory_space<hbm>> -> memref<100000x128xf32, #tpu.memory_space<hbm>>
    tpu.enqueue_indirect_dma source(%dma_start3A_17 : memref<100000x128xf32, #tpu.memory_space<hbm>>) target(%dma_start3A_12 : memref<128x128xf32, #tpu.memory_space<vmem>>) offsets(%dma_start3A_14 : memref<128xi32, #tpu.memory_space<vmem>>) semaphore(%arg15 : memref<!tpu.dma_semaphore, #tpu.memory_space<semaphore_mem>>)
    %dma_start3A_18 = arith.constant 128 : i32
    %dma_start3A_19 = arith.constant 0 : i32
    %dma_start3A_20 = tpu.memref_slice %arg9[%dma_start3A_18, %dma_start3A_19] : memref<200x128xf32, #tpu.memory_space<vmem>> -> memref<72x128xf32, #tpu.memory_space<vmem>>
    %dma_start3A_21 = arith.constant 128 : i32
    %dma_start3A_22 = tpu.memref_slice %arg7[%dma_start3A_21] : memref<200xi32, #tpu.memory_space<vmem>> -> memref<72xi32, #tpu.memory_space<vmem>>
    %dma_start3A_23 = arith.constant 0 : i32
    %dma_start3A_24 = arith.constant 0 : i32
    %dma_start3A_25 = tpu.memref_slice %arg3[%dma_start3A_23, %dma_start3A_24] : memref<100000x128xf32, #tpu.memory_space<hbm>> -> memref<100000x128xf32, #tpu.memory_space<hbm>>
    tpu.enqueue_indirect_dma source(%dma_start3A_25 : memref<100000x128xf32, #tpu.memory_space<hbm>>) target(%dma_start3A_20 : memref<72x128xf32, #tpu.memory_space<vmem>>) offsets(%dma_start3A_22 : memref<72xi32, #tpu.memory_space<vmem>>) semaphore(%arg15 : memref<!tpu.dma_semaphore, #tpu.memory_space<semaphore_mem>>)
    %scan3A = arith.constant 0 : i32
    %scan3A_26 = arith.constant 0 : i32
    %scan3A_27 = arith.constant 64 : i32
    %scan3A_28 = arith.addi %scan3A_26, %scan3A_27 : i32
    %scan3A_29 = arith.constant 1 : i32
    scf.for %scan3A_50 = %scan3A_26 to %scan3A_28 step %scan3A_29  : i32 {
      %mul3A_51 = arith.constant 2 : i32
      %mul3A_52 = arith.muli %scan3A_50, %mul3A_51 : i32
      %add3A_53 = arith.constant 0 : i32
      %add3A_54 = arith.addi %mul3A_52, %add3A_53 : i32
      %dma_wait3A_55 = arith.constant 0 : i32
      %dma_wait3A_56 = arith.constant 0 : i32
      %dma_wait3A_57 = tpu.memref_slice %arg9[%dma_wait3A_55, %dma_wait3A_56] : memref<200x128xf32, #tpu.memory_space<vmem>> -> memref<128x128xf32, #tpu.memory_space<vmem>>
      %dma_wait3A_58 = arith.constant 0 : i32
      %dma_wait3A_59 = tpu.memref_slice %arg7[%dma_wait3A_58] : memref<200xi32, #tpu.memory_space<vmem>> -> memref<128xi32, #tpu.memory_space<vmem>>
      %dma_wait3A_60 = arith.constant 0 : i32
      %dma_wait3A_61 = arith.constant 0 : i32
      %dma_wait3A_62 = tpu.memref_slice %arg3[%dma_wait3A_60, %dma_wait3A_61] : memref<100000x128xf32, #tpu.memory_space<hbm>> -> memref<100000x128xf32, #tpu.memory_space<hbm>>
      tpu.wait_indirect_dma semaphore(%arg15 : memref<!tpu.dma_semaphore, #tpu.memory_space<semaphore_mem>>) src(%dma_wait3A_62 : memref<100000x128xf32, #tpu.memory_space<hbm>>) dst(%dma_wait3A_57 : memref<128x128xf32, #tpu.memory_space<vmem>>)
      %dma_wait3A_63 = arith.constant 128 : i32
      %dma_wait3A_64 = arith.constant 0 : i32
      %dma_wait3A_65 = tpu.memref_slice %arg9[%dma_wait3A_63, %dma_wait3A_64] : memref<200x128xf32, #tpu.memory_space<vmem>> -> memref<72x128xf32, #tpu.memory_space<vmem>>
      %dma_wait3A_66 = arith.constant 128 : i32
      %dma_wait3A_67 = tpu.memref_slice %arg7[%dma_wait3A_66] : memref<200xi32, #tpu.memory_space<vmem>> -> memref<72xi32, #tpu.memory_space<vmem>>
      %dma_wait3A_68 = arith.constant 0 : i32
      %dma_wait3A_69 = arith.constant 0 : i32
      %dma_wait3A_70 = tpu.memref_slice %arg3[%dma_wait3A_68, %dma_wait3A_69] : memref<100000x128xf32, #tpu.memory_space<hbm>> -> memref<100000x128xf32, #tpu.memory_space<hbm>>
      tpu.wait_indirect_dma semaphore(%arg15 : memref<!tpu.dma_semaphore, #tpu.memory_space<semaphore_mem>>) src(%dma_wait3A_70 : memref<100000x128xf32, #tpu.memory_space<hbm>>) dst(%dma_wait3A_65 : memref<72x128xf32, #tpu.memory_space<vmem>>)
      %add3A_71 = arith.constant 1 : i32
      %add3A_72 = arith.addi %add3A_54, %add3A_71 : i32
      %lt3A = arith.constant 128 : i32
      %lt3A_73 = arith.cmpi slt, %add3A_72, %lt3A : i32
      %convert_element_type3A = arith.extui %lt3A_73 : i1 to i32
      %cond3A = arith.constant 0 : i32
      %cond3A_74 = arith.cmpi ne, %convert_element_type3A, %cond3A : i32
      scf.if %cond3A_74 {
        %add3A_160 = arith.constant 1 : i32
        %add3A_161 = arith.addi %add3A_54, %add3A_160 : i32
        %add3A_162 = arith.addi %mul3A_2, %add3A_161 : i32
        %dma_wait3A_163 = arith.constant 0 : i32
        %dma_wait3A_164 = tpu.memref_slice %arg2[%add3A_162, %dma_wait3A_163] : memref<4096x200xi32, #tpu.memory_space<hbm>> -> memref<1x200xi32, #tpu.memory_space<hbm>>
        %dma_wait3A_165 = tpu.memref_squeeze %dma_wait3A_164 : memref<1x200xi32, #tpu.memory_space<hbm>> -> memref<200xi32, #tpu.memory_space<hbm>>
        %dma_wait3A_166 = arith.constant 0 : i32
        %dma_wait3A_167 = tpu.memref_slice %arg2[%add3A_162, %dma_wait3A_166] : memref<4096x200xi32, #tpu.memory_space<hbm>> -> memref<1x200xi32, #tpu.memory_space<hbm>>
        %dma_wait3A_168 = tpu.memref_squeeze %dma_wait3A_167 : memref<1x200xi32, #tpu.memory_space<hbm>> -> memref<200xi32, #tpu.memory_space<hbm>>
        tpu.wait_dma2 semaphore(%arg14 : memref<!tpu.dma_semaphore, #tpu.memory_space<semaphore_mem>>) src(%dma_wait3A_168 : memref<200xi32, #tpu.memory_space<hbm>>) dst(%arg8 : memref<200xi32, #tpu.memory_space<vmem>>)
      } else {
      }
      %add3A_75 = arith.constant 1 : i32
      %add3A_76 = arith.addi %add3A_54, %add3A_75 : i32
      %lt3A_77 = arith.constant 128 : i32
      %lt3A_78 = arith.cmpi slt, %add3A_76, %lt3A_77 : i32
      %convert_element_type3A_79 = arith.extui %lt3A_78 : i1 to i32
      %cond3A_80 = arith.constant 0 : i32
      %cond3A_81 = arith.cmpi ne, %convert_element_type3A_79, %cond3A_80 : i32
      scf.if %cond3A_81 {
        %dma_start3A_160 = arith.constant 0 : i32
        %dma_start3A_161 = arith.constant 0 : i32
        %dma_start3A_162 = tpu.memref_slice %arg10[%dma_start3A_160, %dma_start3A_161] : memref<200x128xf32, #tpu.memory_space<vmem>> -> memref<128x128xf32, #tpu.memory_space<vmem>>
        %dma_start3A_163 = arith.constant 0 : i32
        %dma_start3A_164 = tpu.memref_slice %arg8[%dma_start3A_163] : memref<200xi32, #tpu.memory_space<vmem>> -> memref<128xi32, #tpu.memory_space<vmem>>
        %dma_start3A_165 = arith.constant 0 : i32
        %dma_start3A_166 = arith.constant 0 : i32
        %dma_start3A_167 = tpu.memref_slice %arg3[%dma_start3A_165, %dma_start3A_166] : memref<100000x128xf32, #tpu.memory_space<hbm>> -> memref<100000x128xf32, #tpu.memory_space<hbm>>
        tpu.enqueue_indirect_dma source(%dma_start3A_167 : memref<100000x128xf32, #tpu.memory_space<hbm>>) target(%dma_start3A_162 : memref<128x128xf32, #tpu.memory_space<vmem>>) offsets(%dma_start3A_164 : memref<128xi32, #tpu.memory_space<vmem>>) semaphore(%arg16 : memref<!tpu.dma_semaphore, #tpu.memory_space<semaphore_mem>>)
        %dma_start3A_168 = arith.constant 128 : i32
        %dma_start3A_169 = arith.constant 0 : i32
        %dma_start3A_170 = tpu.memref_slice %arg10[%dma_start3A_168, %dma_start3A_169] : memref<200x128xf32, #tpu.memory_space<vmem>> -> memref<72x128xf32, #tpu.memory_space<vmem>>
        %dma_start3A_171 = arith.constant 128 : i32
        %dma_start3A_172 = tpu.memref_slice %arg8[%dma_start3A_171] : memref<200xi32, #tpu.memory_space<vmem>> -> memref<72xi32, #tpu.memory_space<vmem>>
        %dma_start3A_173 = arith.constant 0 : i32
        %dma_start3A_174 = arith.constant 0 : i32
        %dma_start3A_175 = tpu.memref_slice %arg3[%dma_start3A_173, %dma_start3A_174] : memref<100000x128xf32, #tpu.memory_space<hbm>> -> memref<100000x128xf32, #tpu.memory_space<hbm>>
        tpu.enqueue_indirect_dma source(%dma_start3A_175 : memref<100000x128xf32, #tpu.memory_space<hbm>>) target(%dma_start3A_170 : memref<72x128xf32, #tpu.memory_space<vmem>>) offsets(%dma_start3A_172 : memref<72xi32, #tpu.memory_space<vmem>>) semaphore(%arg16 : memref<!tpu.dma_semaphore, #tpu.memory_space<semaphore_mem>>)
      } else {
      }
      %add3A_82 = arith.constant 2 : i32
      %add3A_83 = arith.addi %add3A_54, %add3A_82 : i32
      %lt3A_84 = arith.constant 128 : i32
      %lt3A_85 = arith.cmpi slt, %add3A_83, %lt3A_84 : i32
      %convert_element_type3A_86 = arith.extui %lt3A_85 : i1 to i32
      %cond3A_87 = arith.constant 0 : i32
      %cond3A_88 = arith.cmpi ne, %convert_element_type3A_86, %cond3A_87 : i32
      scf.if %cond3A_88 {
        %add3A_160 = arith.constant 2 : i32
        %add3A_161 = arith.addi %add3A_54, %add3A_160 : i32
        %add3A_162 = arith.addi %mul3A_2, %add3A_161 : i32
        %dma_start3A_163 = arith.constant 0 : i32
        %dma_start3A_164 = tpu.memref_slice %arg2[%add3A_162, %dma_start3A_163] : memref<4096x200xi32, #tpu.memory_space<hbm>> -> memref<1x200xi32, #tpu.memory_space<hbm>>
        %dma_start3A_165 = tpu.memref_squeeze %dma_start3A_164 : memref<1x200xi32, #tpu.memory_space<hbm>> -> memref<200xi32, #tpu.memory_space<hbm>>
        %dma_start3A_166 = arith.constant 0 : i32
        %dma_start3A_167 = tpu.memref_slice %arg2[%add3A_162, %dma_start3A_166] : memref<4096x200xi32, #tpu.memory_space<hbm>> -> memref<1x200xi32, #tpu.memory_space<hbm>>
        %dma_start3A_168 = tpu.memref_squeeze %dma_start3A_167 : memref<1x200xi32, #tpu.memory_space<hbm>> -> memref<200xi32, #tpu.memory_space<hbm>>
        tpu.enqueue_dma source(%dma_start3A_168 : memref<200xi32, #tpu.memory_space<hbm>>) target(%arg7 : memref<200xi32, #tpu.memory_space<vmem>>) target_semaphore(%arg13 : memref<!tpu.dma_semaphore, #tpu.memory_space<semaphore_mem>>)
      } else {
      }
      %gt3A = arith.constant 1 : i32
      %gt3A_89 = arith.cmpi sgt, %add3A_54, %gt3A : i32
      %convert_element_type3A_90 = arith.extui %gt3A_89 : i1 to i32
      %cond3A_91 = arith.constant 0 : i32
      %cond3A_92 = arith.cmpi ne, %convert_element_type3A_90, %cond3A_91 : i32
      scf.if %cond3A_92 {
        %sub3A = arith.constant 2 : i32
        %sub3A_160 = arith.subi %add3A_54, %sub3A : i32
        %add3A_161 = arith.addi %mul3A_2, %sub3A_160 : i32
        %dma_wait3A_162 = arith.constant 0 : i32
        %dma_wait3A_163 = arith.constant 0 : i32
        %dma_wait3A_164 = tpu.memref_slice %arg5[%add3A_161, %dma_wait3A_162, %dma_wait3A_163] : memref<4096x200x64xf32, #tpu.memory_space<hbm>> -> memref<1x200x64xf32, #tpu.memory_space<hbm>>
        %dma_wait3A_165 = tpu.memref_squeeze %dma_wait3A_164 : memref<1x200x64xf32, #tpu.memory_space<hbm>> -> memref<200x64xf32, #tpu.memory_space<hbm>>
        %dma_wait3A_166 = arith.constant 0 : i32
        %dma_wait3A_167 = arith.constant 0 : i32
        %dma_wait3A_168 = tpu.memref_slice %arg5[%add3A_161, %dma_wait3A_166, %dma_wait3A_167] : memref<4096x200x64xf32, #tpu.memory_space<hbm>> -> memref<1x200x64xf32, #tpu.memory_space<hbm>>
        %dma_wait3A_169 = tpu.memref_squeeze %dma_wait3A_168 : memref<1x200x64xf32, #tpu.memory_space<hbm>> -> memref<200x64xf32, #tpu.memory_space<hbm>>
        tpu.wait_dma2 semaphore(%arg17 : memref<!tpu.dma_semaphore, #tpu.memory_space<semaphore_mem>>) src(%arg11 : memref<200x64xf32, #tpu.memory_space<vmem>>) dst(%dma_wait3A_169 : memref<200x64xf32, #tpu.memory_space<hbm>>)
      } else {
      }
      %parallel_loop3A = arith.constant 0 : i32
      %parallel_loop3A_93 = arith.constant 200 : i32
      %parallel_loop3A_94 = arith.constant 1 : i32
      scf.for %parallel_loop3A_160 = %parallel_loop3A to %parallel_loop3A_93 step %parallel_loop3A_94  : i32 {
        %parallel_loop3A_161 = arith.index_cast %parallel_loop3A_160 : i32 to index
        %parallel_loop3A_162 = arith.constant 0 : index
        %parallel_loop3A_163 = tpu.vector_load %arg9[%parallel_loop3A_161, %parallel_loop3A_162] {strides = array<i32>} : memref<200x128xf32, #tpu.memory_space<vmem>>, vector<1x16xf32>,
        %parallel_loop3A_164 = vector.shape_cast %parallel_loop3A_163 : vector<1x16xf32> to vector<16xf32>
        %parallel_loop3A_165 = arith.index_cast %parallel_loop3A_160 : i32 to index
        %parallel_loop3A_166 = arith.constant 0 : index
        %parallel_loop3A_167 = tpu.vector_load %arg6[%parallel_loop3A_165, %parallel_loop3A_166] {strides = array<i32>} : memref<200x64xf32, #tpu.memory_space<vmem>>, vector<1x16xf32>,
        %parallel_loop3A_168 = vector.shape_cast %parallel_loop3A_167 : vector<1x16xf32> to vector<16xf32>
        %parallel_loop3A_169 = arith.addf %parallel_loop3A_164, %parallel_loop3A_168 : vector<16xf32>
        %parallel_loop3A_170 = arith.index_cast %parallel_loop3A_160 : i32 to index
        %parallel_loop3A_171 = arith.constant 0 : index
        %parallel_loop3A_172 = tpu.vector_load %arg11[%parallel_loop3A_170, %parallel_loop3A_171] {strides = array<i32>} : memref<200x64xf32, #tpu.memory_space<vmem>>, vector<1x16xf32>,
        %parallel_loop3A_173 = vector.shape_cast %parallel_loop3A_172 : vector<1x16xf32> to vector<16xf32>
        %parallel_loop3A_174 = vector.shape_cast %parallel_loop3A_169 : vector<16xf32> to vector<1x16xf32>
        tpu.vector_store %arg11[%parallel_loop3A_170, %parallel_loop3A_171], %parallel_loop3A_174 {strides = array<i32>} : memref<200x64xf32, #tpu.memory_space<vmem>>, vector<1x16xf32>,
        %parallel_loop3A_175 = arith.index_cast %parallel_loop3A_160 : i32 to index
        %parallel_loop3A_176 = arith.constant 16 : index
        %parallel_loop3A_177 = tpu.vector_load %arg9[%parallel_loop3A_175, %parallel_loop3A_176] {strides = array<i32>} : memref<200x128xf32, #tpu.memory_space<vmem>>, vector<1x16xf32>,
        %parallel_loop3A_178 = vector.shape_cast %parallel_loop3A_177 : vector<1x16xf32> to vector<16xf32>
        %parallel_loop3A_179 = arith.index_cast %parallel_loop3A_160 : i32 to index
        %parallel_loop3A_180 = arith.constant 16 : index
        %parallel_loop3A_181 = tpu.vector_load %arg6[%parallel_loop3A_179, %parallel_loop3A_180] {strides = array<i32>} : memref<200x64xf32, #tpu.memory_space<vmem>>, vector<1x16xf32>,
        %parallel_loop3A_182 = vector.shape_cast %parallel_loop3A_181 : vector<1x16xf32> to vector<16xf32>
        %parallel_loop3A_183 = arith.addf %parallel_loop3A_178, %parallel_loop3A_182 : vector<16xf32>
        %parallel_loop3A_184 = arith.index_cast %parallel_loop3A_160 : i32 to index
        %parallel_loop3A_185 = arith.constant 16 : index
        %parallel_loop3A_186 = tpu.vector_load %arg11[%parallel_loop3A_184, %parallel_loop3A_185] {strides = array<i32>} : memref<200x64xf32, #tpu.memory_space<vmem>>, vector<1x16xf32>,
        %parallel_loop3A_187 = vector.shape_cast %parallel_loop3A_186 : vector<1x16xf32> to vector<16xf32>
        %parallel_loop3A_188 = vector.shape_cast %parallel_loop3A_183 : vector<16xf32> to vector<1x16xf32>
        tpu.vector_store %arg11[%parallel_loop3A_184, %parallel_loop3A_185], %parallel_loop3A_188 {strides = array<i32>} : memref<200x64xf32, #tpu.memory_space<vmem>>, vector<1x16xf32>,
        %parallel_loop3A_189 = arith.index_cast %parallel_loop3A_160 : i32 to index
        %parallel_loop3A_190 = arith.constant 32 : index
        %parallel_loop3A_191 = tpu.vector_load %arg9[%parallel_loop3A_189, %parallel_loop3A_190] {strides = array<i32>} : memref<200x128xf32, #tpu.memory_space<vmem>>, vector<1x16xf32>,
        %parallel_loop3A_192 = vector.shape_cast %parallel_loop3A_191 : vector<1x16xf32> to vector<16xf32>
        %parallel_loop3A_193 = arith.index_cast %parallel_loop3A_160 : i32 to index
        %parallel_loop3A_194 = arith.constant 32 : index
        %parallel_loop3A_195 = tpu.vector_load %arg6[%parallel_loop3A_193, %parallel_loop3A_194] {strides = array<i32>} : memref<200x64xf32, #tpu.memory_space<vmem>>, vector<1x16xf32>,
        %parallel_loop3A_196 = vector.shape_cast %parallel_loop3A_195 : vector<1x16xf32> to vector<16xf32>
        %parallel_loop3A_197 = arith.addf %parallel_loop3A_192, %parallel_loop3A_196 : vector<16xf32>
        %parallel_loop3A_198 = arith.index_cast %parallel_loop3A_160 : i32 to index
        %parallel_loop3A_199 = arith.constant 32 : index
        %parallel_loop3A_200 = tpu.vector_load %arg11[%parallel_loop3A_198, %parallel_loop3A_199] {strides = array<i32>} : memref<200x64xf32, #tpu.memory_space<vmem>>, vector<1x16xf32>,
        %parallel_loop3A_201 = vector.shape_cast %parallel_loop3A_200 : vector<1x16xf32> to vector<16xf32>
        %parallel_loop3A_202 = vector.shape_cast %parallel_loop3A_197 : vector<16xf32> to vector<1x16xf32>
        tpu.vector_store %arg11[%parallel_loop3A_198, %parallel_loop3A_199], %parallel_loop3A_202 {strides = array<i32>} : memref<200x64xf32, #tpu.memory_space<vmem>>, vector<1x16xf32>,
        %parallel_loop3A_203 = arith.index_cast %parallel_loop3A_160 : i32 to index
        %parallel_loop3A_204 = arith.constant 48 : index
        %parallel_loop3A_205 = tpu.vector_load %arg9[%parallel_loop3A_203, %parallel_loop3A_204] {strides = array<i32>} : memref<200x128xf32, #tpu.memory_space<vmem>>, vector<1x16xf32>,
        %parallel_loop3A_206 = vector.shape_cast %parallel_loop3A_205 : vector<1x16xf32> to vector<16xf32>
        %parallel_loop3A_207 = arith.index_cast %parallel_loop3A_160 : i32 to index
        %parallel_loop3A_208 = arith.constant 48 : index
        %parallel_loop3A_209 = tpu.vector_load %arg6[%parallel_loop3A_207, %parallel_loop3A_208] {strides = array<i32>} : memref<200x64xf32, #tpu.memory_space<vmem>>, vector<1x16xf32>,
        %parallel_loop3A_210 = vector.shape_cast %parallel_loop3A_209 : vector<1x16xf32> to vector<16xf32>
        %parallel_loop3A_211 = arith.addf %parallel_loop3A_206, %parallel_loop3A_210 : vector<16xf32>
        %parallel_loop3A_212 = arith.index_cast %parallel_loop3A_160 : i32 to index
        %parallel_loop3A_213 = arith.constant 48 : index
        %parallel_loop3A_214 = tpu.vector_load %arg11[%parallel_loop3A_212, %parallel_loop3A_213] {strides = array<i32>} : memref<200x64xf32, #tpu.memory_space<vmem>>, vector<1x16xf32>,
        %parallel_loop3A_215 = vector.shape_cast %parallel_loop3A_214 : vector<1x16xf32> to vector<16xf32>
        %parallel_loop3A_216 = vector.shape_cast %parallel_loop3A_211 : vector<16xf32> to vector<1x16xf32>
        tpu.vector_store %arg11[%parallel_loop3A_212, %parallel_loop3A_213], %parallel_loop3A_216 {strides = array<i32>} : memref<200x64xf32, #tpu.memory_space<vmem>>, vector<1x16xf32>,
      } {sc.loop_unroll_factor = 8 : i64, sc.parallel_access}
      %add3A_95 = arith.addi %mul3A_2, %add3A_54 : i32
      %dma_start3A_96 = arith.constant 0 : i32
      %dma_start3A_97 = arith.constant 0 : i32
      %dma_start3A_98 = tpu.memref_slice %arg5[%add3A_95, %dma_start3A_96, %dma_start3A_97] : memref<4096x200x64xf32, #tpu.memory_space<hbm>> -> memref<1x200x64xf32, #tpu.memory_space<hbm>>
      %dma_start3A_99 = tpu.memref_squeeze %dma_start3A_98 : memref<1x200x64xf32, #tpu.memory_space<hbm>> -> memref<200x64xf32, #tpu.memory_space<hbm>>
      %dma_start3A_100 = arith.constant 0 : i32
      %dma_start3A_101 = arith.constant 0 : i32
      %dma_start3A_102 = tpu.memref_slice %arg5[%add3A_95, %dma_start3A_100, %dma_start3A_101] : memref<4096x200x64xf32, #tpu.memory_space<hbm>> -> memref<1x200x64xf32, #tpu.memory_space<hbm>>
      %dma_start3A_103 = tpu.memref_squeeze %dma_start3A_102 : memref<1x200x64xf32, #tpu.memory_space<hbm>> -> memref<200x64xf32, #tpu.memory_space<hbm>>
      tpu.enqueue_dma source(%arg11 : memref<200x64xf32, #tpu.memory_space<vmem>>) target(%dma_start3A_103 : memref<200x64xf32, #tpu.memory_space<hbm>>) target_semaphore(%arg17 : memref<!tpu.dma_semaphore, #tpu.memory_space<semaphore_mem>>)
      %add3A_104 = arith.constant 1 : i32
      %add3A_105 = arith.addi %mul3A_52, %add3A_104 : i32
      %dma_wait3A_106 = arith.constant 0 : i32
      %dma_wait3A_107 = arith.constant 0 : i32
      %dma_wait3A_108 = tpu.memref_slice %arg10[%dma_wait3A_106, %dma_wait3A_107] : memref<200x128xf32, #tpu.memory_space<vmem>> -> memref<128x128xf32, #tpu.memory_space<vmem>>
      %dma_wait3A_109 = arith.constant 0 : i32
      %dma_wait3A_110 = tpu.memref_slice %arg8[%dma_wait3A_109] : memref<200xi32, #tpu.memory_space<vmem>> -> memref<128xi32, #tpu.memory_space<vmem>>
      %dma_wait3A_111 = arith.constant 0 : i32
      %dma_wait3A_112 = arith.constant 0 : i32
      %dma_wait3A_113 = tpu.memref_slice %arg3[%dma_wait3A_111, %dma_wait3A_112] : memref<100000x128xf32, #tpu.memory_space<hbm>> -> memref<100000x128xf32, #tpu.memory_space<hbm>>
      tpu.wait_indirect_dma semaphore(%arg16 : memref<!tpu.dma_semaphore, #tpu.memory_space<semaphore_mem>>) src(%dma_wait3A_113 : memref<100000x128xf32, #tpu.memory_space<hbm>>) dst(%dma_wait3A_108 : memref<128x128xf32, #tpu.memory_space<vmem>>)
      %dma_wait3A_114 = arith.constant 128 : i32
      %dma_wait3A_115 = arith.constant 0 : i32
      %dma_wait3A_116 = tpu.memref_slice %arg10[%dma_wait3A_114, %dma_wait3A_115] : memref<200x128xf32, #tpu.memory_space<vmem>> -> memref<72x128xf32, #tpu.memory_space<vmem>>
      %dma_wait3A_117 = arith.constant 128 : i32
      %dma_wait3A_118 = tpu.memref_slice %arg8[%dma_wait3A_117] : memref<200xi32, #tpu.memory_space<vmem>> -> memref<72xi32, #tpu.memory_space<vmem>>
      %dma_wait3A_119 = arith.constant 0 : i32
      %dma_wait3A_120 = arith.constant 0 : i32
      %dma_wait3A_121 = tpu.memref_slice %arg3[%dma_wait3A_119, %dma_wait3A_120] : memref<100000x128xf32, #tpu.memory_space<hbm>> -> memref<100000x128xf32, #tpu.memory_space<hbm>>
      tpu.wait_indirect_dma semaphore(%arg16 : memref<!tpu.dma_semaphore, #tpu.memory_space<semaphore_mem>>) src(%dma_wait3A_121 : memref<100000x128xf32, #tpu.memory_space<hbm>>) dst(%dma_wait3A_116 : memref<72x128xf32, #tpu.memory_space<vmem>>)
      %add3A_122 = arith.constant 1 : i32
      %add3A_123 = arith.addi %add3A_105, %add3A_122 : i32
      %lt3A_124 = arith.constant 128 : i32
      %lt3A_125 = arith.cmpi slt, %add3A_123, %lt3A_124 : i32
      %convert_element_type3A_126 = arith.extui %lt3A_125 : i1 to i32
      %cond3A_127 = arith.constant 0 : i32
      %cond3A_128 = arith.cmpi ne, %convert_element_type3A_126, %cond3A_127 : i32
      scf.if %cond3A_128 {
        %add3A_160 = arith.constant 1 : i32
        %add3A_161 = arith.addi %add3A_105, %add3A_160 : i32
        %add3A_162 = arith.addi %mul3A_2, %add3A_161 : i32
        %dma_wait3A_163 = arith.constant 0 : i32
        %dma_wait3A_164 = tpu.memref_slice %arg2[%add3A_162, %dma_wait3A_163] : memref<4096x200xi32, #tpu.memory_space<hbm>> -> memref<1x200xi32, #tpu.memory_space<hbm>>
        %dma_wait3A_165 = tpu.memref_squeeze %dma_wait3A_164 : memref<1x200xi32, #tpu.memory_space<hbm>> -> memref<200xi32, #tpu.memory_space<hbm>>
        %dma_wait3A_166 = arith.constant 0 : i32
        %dma_wait3A_167 = tpu.memref_slice %arg2[%add3A_162, %dma_wait3A_166] : memref<4096x200xi32, #tpu.memory_space<hbm>> -> memref<1x200xi32, #tpu.memory_space<hbm>>
        %dma_wait3A_168 = tpu.memref_squeeze %dma_wait3A_167 : memref<1x200xi32, #tpu.memory_space<hbm>> -> memref<200xi32, #tpu.memory_space<hbm>>
        tpu.wait_dma2 semaphore(%arg13 : memref<!tpu.dma_semaphore, #tpu.memory_space<semaphore_mem>>) src(%dma_wait3A_168 : memref<200xi32, #tpu.memory_space<hbm>>) dst(%arg7 : memref<200xi32, #tpu.memory_space<vmem>>)
      } else {
      }
      %add3A_129 = arith.constant 1 : i32
      %add3A_130 = arith.addi %add3A_105, %add3A_129 : i32
      %lt3A_131 = arith.constant 128 : i32
      %lt3A_132 = arith.cmpi slt, %add3A_130, %lt3A_131 : i32
      %convert_element_type3A_133 = arith.extui %lt3A_132 : i1 to i32
      %cond3A_134 = arith.constant 0 : i32
      %cond3A_135 = arith.cmpi ne, %convert_element_type3A_133, %cond3A_134 : i32
      scf.if %cond3A_135 {
        %dma_start3A_160 = arith.constant 0 : i32
        %dma_start3A_161 = arith.constant 0 : i32
        %dma_start3A_162 = tpu.memref_slice %arg9[%dma_start3A_160, %dma_start3A_161] : memref<200x128xf32, #tpu.memory_space<vmem>> -> memref<128x128xf32, #tpu.memory_space<vmem>>
        %dma_start3A_163 = arith.constant 0 : i32
        %dma_start3A_164 = tpu.memref_slice %arg7[%dma_start3A_163] : memref<200xi32, #tpu.memory_space<vmem>> -> memref<128xi32, #tpu.memory_space<vmem>>
        %dma_start3A_165 = arith.constant 0 : i32
        %dma_start3A_166 = arith.constant 0 : i32
        %dma_start3A_167 = tpu.memref_slice %arg3[%dma_start3A_165, %dma_start3A_166] : memref<100000x128xf32, #tpu.memory_space<hbm>> -> memref<100000x128xf32, #tpu.memory_space<hbm>>
        tpu.enqueue_indirect_dma source(%dma_start3A_167 : memref<100000x128xf32, #tpu.memory_space<hbm>>) target(%dma_start3A_162 : memref<128x128xf32, #tpu.memory_space<vmem>>) offsets(%dma_start3A_164 : memref<128xi32, #tpu.memory_space<vmem>>) semaphore(%arg15 : memref<!tpu.dma_semaphore, #tpu.memory_space<semaphore_mem>>)
        %dma_start3A_168 = arith.constant 128 : i32
        %dma_start3A_169 = arith.constant 0 : i32
        %dma_start3A_170 = tpu.memref_slice %arg9[%dma_start3A_168, %dma_start3A_169] : memref<200x128xf32, #tpu.memory_space<vmem>> -> memref<72x128xf32, #tpu.memory_space<vmem>>
        %dma_start3A_171 = arith.constant 128 : i32
        %dma_start3A_172 = tpu.memref_slice %arg7[%dma_start3A_171] : memref<200xi32, #tpu.memory_space<vmem>> -> memref<72xi32, #tpu.memory_space<vmem>>
        %dma_start3A_173 = arith.constant 0 : i32
        %dma_start3A_174 = arith.constant 0 : i32
        %dma_start3A_175 = tpu.memref_slice %arg3[%dma_start3A_173, %dma_start3A_174] : memref<100000x128xf32, #tpu.memory_space<hbm>> -> memref<100000x128xf32, #tpu.memory_space<hbm>>
        tpu.enqueue_indirect_dma source(%dma_start3A_175 : memref<100000x128xf32, #tpu.memory_space<hbm>>) target(%dma_start3A_170 : memref<72x128xf32, #tpu.memory_space<vmem>>) offsets(%dma_start3A_172 : memref<72xi32, #tpu.memory_space<vmem>>) semaphore(%arg15 : memref<!tpu.dma_semaphore, #tpu.memory_space<semaphore_mem>>)
      } else {
      }
      %add3A_136 = arith.constant 2 : i32
      %add3A_137 = arith.addi %add3A_105, %add3A_136 : i32
      %lt3A_138 = arith.constant 128 : i32
      %lt3A_139 = arith.cmpi slt, %add3A_137, %lt3A_138 : i32
      %convert_element_type3A_140 = arith.extui %lt3A_139 : i1 to i32
      %cond3A_141 = arith.constant 0 : i32
      %cond3A_142 = arith.cmpi ne, %convert_element_type3A_140, %cond3A_141 : i32
      scf.if %cond3A_142 {
        %add3A_160 = arith.constant 2 : i32
        %add3A_161 = arith.addi %add3A_105, %add3A_160 : i32
        %add3A_162 = arith.addi %mul3A_2, %add3A_161 : i32
        %dma_start3A_163 = arith.constant 0 : i32
        %dma_start3A_164 = tpu.memref_slice %arg2[%add3A_162, %dma_start3A_163] : memref<4096x200xi32, #tpu.memory_space<hbm>> -> memref<1x200xi32, #tpu.memory_space<hbm>>
        %dma_start3A_165 = tpu.memref_squeeze %dma_start3A_164 : memref<1x200xi32, #tpu.memory_space<hbm>> -> memref<200xi32, #tpu.memory_space<hbm>>
        %dma_start3A_166 = arith.constant 0 : i32
        %dma_start3A_167 = tpu.memref_slice %arg2[%add3A_162, %dma_start3A_166] : memref<4096x200xi32, #tpu.memory_space<hbm>> -> memref<1x200xi32, #tpu.memory_space<hbm>>
        %dma_start3A_168 = tpu.memref_squeeze %dma_start3A_167 : memref<1x200xi32, #tpu.memory_space<hbm>> -> memref<200xi32, #tpu.memory_space<hbm>>
        tpu.enqueue_dma source(%dma_start3A_168 : memref<200xi32, #tpu.memory_space<hbm>>) target(%arg8 : memref<200xi32, #tpu.memory_space<vmem>>) target_semaphore(%arg14 : memref<!tpu.dma_semaphore, #tpu.memory_space<semaphore_mem>>)
      } else {
      }
      %gt3A_143 = arith.constant 1 : i32
      %gt3A_144 = arith.cmpi sgt, %add3A_105, %gt3A_143 : i32
      %convert_element_type3A_145 = arith.extui %gt3A_144 : i1 to i32
      %cond3A_146 = arith.constant 0 : i32
      %cond3A_147 = arith.cmpi ne, %convert_element_type3A_145, %cond3A_146 : i32
      scf.if %cond3A_147 {
        %sub3A = arith.constant 2 : i32
        %sub3A_160 = arith.subi %add3A_105, %sub3A : i32
        %add3A_161 = arith.addi %mul3A_2, %sub3A_160 : i32
        %dma_wait3A_162 = arith.constant 0 : i32
        %dma_wait3A_163 = arith.constant 0 : i32
        %dma_wait3A_164 = tpu.memref_slice %arg5[%add3A_161, %dma_wait3A_162, %dma_wait3A_163] : memref<4096x200x64xf32, #tpu.memory_space<hbm>> -> memref<1x200x64xf32, #tpu.memory_space<hbm>>
        %dma_wait3A_165 = tpu.memref_squeeze %dma_wait3A_164 : memref<1x200x64xf32, #tpu.memory_space<hbm>> -> memref<200x64xf32, #tpu.memory_space<hbm>>
        %dma_wait3A_166 = arith.constant 0 : i32
        %dma_wait3A_167 = arith.constant 0 : i32
        %dma_wait3A_168 = tpu.memref_slice %arg5[%add3A_161, %dma_wait3A_166, %dma_wait3A_167] : memref<4096x200x64xf32, #tpu.memory_space<hbm>> -> memref<1x200x64xf32, #tpu.memory_space<hbm>>
        %dma_wait3A_169 = tpu.memref_squeeze %dma_wait3A_168 : memref<1x200x64xf32, #tpu.memory_space<hbm>> -> memref<200x64xf32, #tpu.memory_space<hbm>>
        tpu.wait_dma2 semaphore(%arg18 : memref<!tpu.dma_semaphore, #tpu.memory_space<semaphore_mem>>) src(%arg12 : memref<200x64xf32, #tpu.memory_space<vmem>>) dst(%dma_wait3A_169 : memref<200x64xf32, #tpu.memory_space<hbm>>)
      } else {
      }
      %parallel_loop3A_148 = arith.constant 0 : i32
      %parallel_loop3A_149 = arith.constant 200 : i32
      %parallel_loop3A_150 = arith.constant 1 : i32
      scf.for %parallel_loop3A_160 = %parallel_loop3A_148 to %parallel_loop3A_149 step %parallel_loop3A_150  : i32 {
        %parallel_loop3A_161 = arith.index_cast %parallel_loop3A_160 : i32 to index
        %parallel_loop3A_162 = arith.constant 0 : index
        %parallel_loop3A_163 = tpu.vector_load %arg10[%parallel_loop3A_161, %parallel_loop3A_162] {strides = array<i32>} : memref<200x128xf32, #tpu.memory_space<vmem>>, vector<1x16xf32>,
        %parallel_loop3A_164 = vector.shape_cast %parallel_loop3A_163 : vector<1x16xf32> to vector<16xf32>
        %parallel_loop3A_165 = arith.index_cast %parallel_loop3A_160 : i32 to index
        %parallel_loop3A_166 = arith.constant 0 : index
        %parallel_loop3A_167 = tpu.vector_load %arg6[%parallel_loop3A_165, %parallel_loop3A_166] {strides = array<i32>} : memref<200x64xf32, #tpu.memory_space<vmem>>, vector<1x16xf32>,
        %parallel_loop3A_168 = vector.shape_cast %parallel_loop3A_167 : vector<1x16xf32> to vector<16xf32>
        %parallel_loop3A_169 = arith.addf %parallel_loop3A_164, %parallel_loop3A_168 : vector<16xf32>
        %parallel_loop3A_170 = arith.index_cast %parallel_loop3A_160 : i32 to index
        %parallel_loop3A_171 = arith.constant 0 : index
        %parallel_loop3A_172 = tpu.vector_load %arg12[%parallel_loop3A_170, %parallel_loop3A_171] {strides = array<i32>} : memref<200x64xf32, #tpu.memory_space<vmem>>, vector<1x16xf32>,
        %parallel_loop3A_173 = vector.shape_cast %parallel_loop3A_172 : vector<1x16xf32> to vector<16xf32>
        %parallel_loop3A_174 = vector.shape_cast %parallel_loop3A_169 : vector<16xf32> to vector<1x16xf32>
        tpu.vector_store %arg12[%parallel_loop3A_170, %parallel_loop3A_171], %parallel_loop3A_174 {strides = array<i32>} : memref<200x64xf32, #tpu.memory_space<vmem>>, vector<1x16xf32>,
        %parallel_loop3A_175 = arith.index_cast %parallel_loop3A_160 : i32 to index
        %parallel_loop3A_176 = arith.constant 16 : index
        %parallel_loop3A_177 = tpu.vector_load %arg10[%parallel_loop3A_175, %parallel_loop3A_176] {strides = array<i32>} : memref<200x128xf32, #tpu.memory_space<vmem>>, vector<1x16xf32>,
        %parallel_loop3A_178 = vector.shape_cast %parallel_loop3A_177 : vector<1x16xf32> to vector<16xf32>
        %parallel_loop3A_179 = arith.index_cast %parallel_loop3A_160 : i32 to index
        %parallel_loop3A_180 = arith.constant 16 : index
        %parallel_loop3A_181 = tpu.vector_load %arg6[%parallel_loop3A_179, %parallel_loop3A_180] {strides = array<i32>} : memref<200x64xf32, #tpu.memory_space<vmem>>, vector<1x16xf32>,
        %parallel_loop3A_182 = vector.shape_cast %parallel_loop3A_181 : vector<1x16xf32> to vector<16xf32>
        %parallel_loop3A_183 = arith.addf %parallel_loop3A_178, %parallel_loop3A_182 : vector<16xf32>
        %parallel_loop3A_184 = arith.index_cast %parallel_loop3A_160 : i32 to index
        %parallel_loop3A_185 = arith.constant 16 : index
        %parallel_loop3A_186 = tpu.vector_load %arg12[%parallel_loop3A_184, %parallel_loop3A_185] {strides = array<i32>} : memref<200x64xf32, #tpu.memory_space<vmem>>, vector<1x16xf32>,
        %parallel_loop3A_187 = vector.shape_cast %parallel_loop3A_186 : vector<1x16xf32> to vector<16xf32>
        %parallel_loop3A_188 = vector.shape_cast %parallel_loop3A_183 : vector<16xf32> to vector<1x16xf32>
        tpu.vector_store %arg12[%parallel_loop3A_184, %parallel_loop3A_185], %parallel_loop3A_188 {strides = array<i32>} : memref<200x64xf32, #tpu.memory_space<vmem>>, vector<1x16xf32>,
        %parallel_loop3A_189 = arith.index_cast %parallel_loop3A_160 : i32 to index
        %parallel_loop3A_190 = arith.constant 32 : index
        %parallel_loop3A_191 = tpu.vector_load %arg10[%parallel_loop3A_189, %parallel_loop3A_190] {strides = array<i32>} : memref<200x128xf32, #tpu.memory_space<vmem>>, vector<1x16xf32>,
        %parallel_loop3A_192 = vector.shape_cast %parallel_loop3A_191 : vector<1x16xf32> to vector<16xf32>
        %parallel_loop3A_193 = arith.index_cast %parallel_loop3A_160 : i32 to index
        %parallel_loop3A_194 = arith.constant 32 : index
        %parallel_loop3A_195 = tpu.vector_load %arg6[%parallel_loop3A_193, %parallel_loop3A_194] {strides = array<i32>} : memref<200x64xf32, #tpu.memory_space<vmem>>, vector<1x16xf32>,
        %parallel_loop3A_196 = vector.shape_cast %parallel_loop3A_195 : vector<1x16xf32> to vector<16xf32>
        %parallel_loop3A_197 = arith.addf %parallel_loop3A_192, %parallel_loop3A_196 : vector<16xf32>
        %parallel_loop3A_198 = arith.index_cast %parallel_loop3A_160 : i32 to index
        %parallel_loop3A_199 = arith.constant 32 : index
        %parallel_loop3A_200 = tpu.vector_load %arg12[%parallel_loop3A_198, %parallel_loop3A_199] {strides = array<i32>} : memref<200x64xf32, #tpu.memory_space<vmem>>, vector<1x16xf32>,
        %parallel_loop3A_201 = vector.shape_cast %parallel_loop3A_200 : vector<1x16xf32> to vector<16xf32>
        %parallel_loop3A_202 = vector.shape_cast %parallel_loop3A_197 : vector<16xf32> to vector<1x16xf32>
        tpu.vector_store %arg12[%parallel_loop3A_198, %parallel_loop3A_199], %parallel_loop3A_202 {strides = array<i32>} : memref<200x64xf32, #tpu.memory_space<vmem>>, vector<1x16xf32>,
        %parallel_loop3A_203 = arith.index_cast %parallel_loop3A_160 : i32 to index
        %parallel_loop3A_204 = arith.constant 48 : index
        %parallel_loop3A_205 = tpu.vector_load %arg10[%parallel_loop3A_203, %parallel_loop3A_204] {strides = array<i32>} : memref<200x128xf32, #tpu.memory_space<vmem>>, vector<1x16xf32>,
        %parallel_loop3A_206 = vector.shape_cast %parallel_loop3A_205 : vector<1x16xf32> to vector<16xf32>
        %parallel_loop3A_207 = arith.index_cast %parallel_loop3A_160 : i32 to index
        %parallel_loop3A_208 = arith.constant 48 : index
        %parallel_loop3A_209 = tpu.vector_load %arg6[%parallel_loop3A_207, %parallel_loop3A_208] {strides = array<i32>} : memref<200x64xf32, #tpu.memory_space<vmem>>, vector<1x16xf32>,
        %parallel_loop3A_210 = vector.shape_cast %parallel_loop3A_209 : vector<1x16xf32> to vector<16xf32>
        %parallel_loop3A_211 = arith.addf %parallel_loop3A_206, %parallel_loop3A_210 : vector<16xf32>
        %parallel_loop3A_212 = arith.index_cast %parallel_loop3A_160 : i32 to index
        %parallel_loop3A_213 = arith.constant 48 : index
        %parallel_loop3A_214 = tpu.vector_load %arg12[%parallel_loop3A_212, %parallel_loop3A_213] {strides = array<i32>} : memref<200x64xf32, #tpu.memory_space<vmem>>, vector<1x16xf32>,
        %parallel_loop3A_215 = vector.shape_cast %parallel_loop3A_214 : vector<1x16xf32> to vector<16xf32>
        %parallel_loop3A_216 = vector.shape_cast %parallel_loop3A_211 : vector<16xf32> to vector<1x16xf32>
        tpu.vector_store %arg12[%parallel_loop3A_212, %parallel_loop3A_213], %parallel_loop3A_216 {strides = array<i32>} : memref<200x64xf32, #tpu.memory_space<vmem>>, vector<1x16xf32>,
      } {sc.loop_unroll_factor = 8 : i64, sc.parallel_access}
      %add3A_151 = arith.addi %mul3A_2, %add3A_105 : i32
      %dma_start3A_152 = arith.constant 0 : i32
      %dma_start3A_153 = arith.constant 0 : i32
      %dma_start3A_154 = tpu.memref_slice %arg5[%add3A_151, %dma_start3A_152, %dma_start3A_153] : memref<4096x200x64xf32, #tpu.memory_space<hbm>> -> memref<1x200x64xf32, #tpu.memory_space<hbm>>
      %dma_start3A_155 = tpu.memref_squeeze %dma_start3A_154 : memref<1x200x64xf32, #tpu.memory_space<hbm>> -> memref<200x64xf32, #tpu.memory_space<hbm>>
      %dma_start3A_156 = arith.constant 0 : i32
      %dma_start3A_157 = arith.constant 0 : i32
      %dma_start3A_158 = tpu.memref_slice %arg5[%add3A_151, %dma_start3A_156, %dma_start3A_157] : memref<4096x200x64xf32, #tpu.memory_space<hbm>> -> memref<1x200x64xf32, #tpu.memory_space<hbm>>
      %dma_start3A_159 = tpu.memref_squeeze %dma_start3A_158 : memref<1x200x64xf32, #tpu.memory_space<hbm>> -> memref<200x64xf32, #tpu.memory_space<hbm>>
      tpu.enqueue_dma source(%arg12 : memref<200x64xf32, #tpu.memory_space<vmem>>) target(%dma_start3A_159 : memref<200x64xf32, #tpu.memory_space<hbm>>) target_semaphore(%arg18 : memref<!tpu.dma_semaphore, #tpu.memory_space<semaphore_mem>>)
    }
    %scan3A_30 = arith.constant 64 : i32
    %add3A_31 = arith.constant 126 : i32
    %add3A_32 = arith.addi %mul3A_2, %add3A_31 : i32
    %dma_wait3A = arith.constant 0 : i32
    %dma_wait3A_33 = arith.constant 0 : i32
    %dma_wait3A_34 = tpu.memref_slice %arg5[%add3A_32, %dma_wait3A, %dma_wait3A_33] : memref<4096x200x64xf32, #tpu.memory_space<hbm>> -> memref<1x200x64xf32, #tpu.memory_space<hbm>>
    %dma_wait3A_35 = tpu.memref_squeeze %dma_wait3A_34 : memref<1x200x64xf32, #tpu.memory_space<hbm>> -> memref<200x64xf32, #tpu.memory_space<hbm>>
    %dma_wait3A_36 = arith.constant 0 : i32
    %dma_wait3A_37 = arith.constant 0 : i32
    %dma_wait3A_38 = tpu.memref_slice %arg5[%add3A_32, %dma_wait3A_36, %dma_wait3A_37] : memref<4096x200x64xf32, #tpu.memory_space<hbm>> -> memref<1x200x64xf32, #tpu.memory_space<hbm>>
    %dma_wait3A_39 = tpu.memref_squeeze %dma_wait3A_38 : memref<1x200x64xf32, #tpu.memory_space<hbm>> -> memref<200x64xf32, #tpu.memory_space<hbm>>
    tpu.wait_dma2 semaphore(%arg17 : memref<!tpu.dma_semaphore, #tpu.memory_space<semaphore_mem>>) src(%arg11 : memref<200x64xf32, #tpu.memory_space<vmem>>) dst(%dma_wait3A_39 : memref<200x64xf32, #tpu.memory_space<hbm>>)
    %add3A_40 = arith.constant 127 : i32
    %add3A_41 = arith.addi %mul3A_2, %add3A_40 : i32
    %dma_wait3A_42 = arith.constant 0 : i32
    %dma_wait3A_43 = arith.constant 0 : i32
    %dma_wait3A_44 = tpu.memref_slice %arg5[%add3A_41, %dma_wait3A_42, %dma_wait3A_43] : memref<4096x200x64xf32, #tpu.memory_space<hbm>> -> memref<1x200x64xf32, #tpu.memory_space<hbm>>
    %dma_wait3A_45 = tpu.memref_squeeze %dma_wait3A_44 : memref<1x200x64xf32, #tpu.memory_space<hbm>> -> memref<200x64xf32, #tpu.memory_space<hbm>>
    %dma_wait3A_46 = arith.constant 0 : i32
    %dma_wait3A_47 = arith.constant 0 : i32
    %dma_wait3A_48 = tpu.memref_slice %arg5[%add3A_41, %dma_wait3A_46, %dma_wait3A_47] : memref<4096x200x64xf32, #tpu.memory_space<hbm>> -> memref<1x200x64xf32, #tpu.memory_space<hbm>>
    %dma_wait3A_49 = tpu.memref_squeeze %dma_wait3A_48 : memref<1x200x64xf32, #tpu.memory_space<hbm>> -> memref<200x64xf32, #tpu.memory_space<hbm>>
    tpu.wait_dma2 semaphore(%arg18 : memref<!tpu.dma_semaphore, #tpu.memory_space<semaphore_mem>>) src(%arg12 : memref<200x64xf32, #tpu.memory_space<vmem>>) dst(%dma_wait3A_49 : memref<200x64xf32, #tpu.memory_space<hbm>>)
    return
  }
}

</mosaic_0001>

<sc_bundles>
// kernel: kernel.3.cloned.1.call-start
scs
__scs_entry_jumppad:
0x0: {  	(pc) =	sbr.rel $0x88, $3  }
0x1: {  	(tag) =	ssettag $0x0;
	lr =	simm.s32 $0x1  }
0x2: {  	[smem:$0x3F9E] =	sst lr;
	_ =	strace $0xD0000000  }
0x3: {  	_ = 	snop  }
0x4: {  	_ = 	snop  }
0x5: {  	_ = 	snop  }
0x6: {  	_ = 	snop  }
0x7: {  	_ = 	snop  }
__scs_overlays_trampoline_lowered:
0x8: {  	[smem:$0x3FAD] =	sst s0  }
0x9: {  	[smem:$0x3FAE] =	sst s1  }
0xa: {  	[smem:$0x3FAF] =	sst s2  }
0xb: {  	[smem:$0x3FB0] =	sst s3  }
0xc: {  	[smem:$0x3FB1] =	sst s4  }
0xd: {  	[smem:$0x3FB2] =	sst s5  }
0xe: {  	[smem:$0x3FB3] =	sst s6  }
0xf: {  	[smem:$0x3FB4] =	sst s7  }
0x10: {  	[smem:$0x3FB5] =	sst s8  }
0x11: {  	[smem:$0x3FB6] =	sst s9;
	s0 =	simm.s32 @!p0 $0x0  }
0x12: {  	s1 =	sld [smem:$0x3F9C];
	s0 =	simm.s32 @p0 $0x1  }
0x13: {  	[smem:$0x3FB7] =	sst s0;
	s0 =	simm.s32 @!p1 $0x0  }
0x14: {  	s2 =	sld [smem:$0x3F9B];
	s0 =	simm.s32 @p1 $0x1  }
0x15: {  	[smem:$0x3FB8] =	sst s0;
	s0 =	simm.s32 @!p2 $0x0  }
0x16: {  	s3 =	sld [smem:$0x3FDB];
	s0 =	simm.s32 @p2 $0x1  }
0x17: {  	s4 =	simm.s32 $0x1BF5;
	[smem:$0x3FBA] =	sst s0  }
0x18: {  	s0 =	sld [smem:$0x3F9D];
	_ =	swait.ge [sflag:s4], $0x0  }
0x19: {  	s7 =	sld [smem:$0x3F9E]  }
0x1a: {  	s8 =	sadd.s32 $0xFFFFE003, lr  }
0x1b: {  	s9 =	sadd.s32 $0xFFFFFEF7, lr;
	s5 =	simm.s32 $0xFFFFFFFF;
	p2 =	slt.u32 s8, $0xFFFFF086  }
0x1c: {  	p1 =	slt.u32 s9, $0xF7A;
	s5 =	simm.s32 @!p2 $0x0  }
0x1d: {  	s5 =	simm.s32 @p1 $0x1;
	p0 =	seq.s32 s7, s2  }
0x1e: {  	s7 =	smul.u32 @!p0 $0xF7A, s2;
	p2 =	seq.s32 @!p0 s5, $0x0  }
0x1f: {  	s9 =	smul.u32 $0xF7A, s1;
	s8 =	simm.s32 @!p0 $0x1BF5;
	p2 =	por !p2, p0  }
0x20: {  	[sflag:s8] =	ssyncset.s32 @!p0 $0xFFFFF086;
	s6 =	sadd.s32 @!p0 s3, s7;
	s7 =	simm.s32 @!p0 $0x108  }
0x21: {  	s3 =	sadd.s32 s3, s9;
	s6 =	sadd.s32 @!p0 $0x88, s6;
	s7 =	simm.s32 @p2 $0x1082  }
0x22: {  	[simem:s7], [sflag:s8] =	dma.local @!p0 [hbm:s6], $0xF7A  }
0x23: {  	s9 =	sor.u32 $0xD0000000, s2;
	s6 =	simm.s32 $0x108;
	_ =	swait.ge @!p0 [sflag:s8], $0x0  }
0x24: {  	s3 =	sadd.s32 $0x88, s3;
	s6 =	simm.s32 @!p1 $0x1082;
	[sflag:s4] =	ssyncset.s32 $0xFFFFF086  }
0x25: {  	[simem:s6], [sflag:s4] =	dma.local [hbm:s3], $0xF7A  }
0x26: {  	[smem:$0x3F9E] =	sst s1;
	(tag) =	ssettag s2;
	_ =	strace s9  }
0x27: {  	s1 =	sld [smem:$0x3FAE]  }
0x28: {  	s2 =	sld [smem:$0x3FAF]  }
0x29: {  	s4 =	sld [smem:$0x3FB1]  }
0x2a: {  	p0 =	seq.s32 s5, $0x0;
	s5 =	sld [smem:$0x3FB2]  }
0x2b: {  	s6 =	sld [smem:$0x3FB3]  }
0x2c: {  	s7 =	sld [smem:$0x3FB4]  }
0x2d: {  	s3 =	simm.s32 $0x108;
	s8 =	sld [smem:$0x3FB5]  }
0x2e: {  	s3 =	simm.s32 @!p0 $0x1082;
	s9 =	sld [smem:$0x3FB6]  }
0x2f: {  	lr =	sadd.s32 s0, s3;
	s0 =	sld [smem:$0x3FAD]  }
0x30: {  	s3 =	sld [smem:$0x3FB0]  }
0x31: {  	[smem:$0x3FB9] =	sst s10  }
0x32: {  	s10 =	sld [smem:$0x3FB7];
	_ =	sdelay $0x3  }
0x33: {  	p0 =	seq.s32 s10, $0x1;
	s10 =	sld [smem:$0x3FB9];
	_ =	sdelay $0x3  }
0x34: {  	[smem:$0x3FB9] =	sst s10  }
0x35: {  	s10 =	sld [smem:$0x3FB8];
	_ =	sdelay $0x3  }
0x36: {  	p1 =	seq.s32 s10, $0x1;
	s10 =	sld [smem:$0x3FB9];
	_ =	sdelay $0x3  }
0x37: {  	[smem:$0x3FB9] =	sst s10  }
0x38: {  	s10 =	sld [smem:$0x3FBA]  }
0x39: {  	_ = 	snop;
	(pc) =	sbr.ind lr, $3  }
0x3a: {  	_ = 	snop  }
0x3b: {  	_ = 	snop  }
0x3c: {  	p2 =	seq.s32 s10, $0x1;
	s10 =	sld [smem:$0x3FB9]  }
0x3d: {  	_ =	shalt  }
0x3e: {  	_ =	shalt  }
0x3f: {  	_ =	shalt  }
0x40: {  	_ =	shalt  }
0x41: {  	_ =	shalt  }
0x42: {  	_ =	shalt  }
0x43: {  	_ =	shalt  }
0x44: {  	_ =	shalt  }
0x45: {  	_ =	shalt  }
0x46: {  	_ =	shalt  }
0x47: {  	_ =	shalt  }
0x48: {  	_ =	shalt  }
0x49: {  	_ =	shalt  }
0x4a: {  	_ =	shalt  }
0x4b: {  	_ =	shalt  }
0x4c: {  	_ =	shalt  }
0x4d: {  	_ =	shalt  }
0x4e: {  	_ =	shalt  }
0x4f: {  	_ =	shalt  }
0x50: {  	_ =	shalt  }
0x51: {  	_ =	shalt  }
0x52: {  	_ =	shalt  }
0x53: {  	_ =	shalt  }
0x54: {  	_ =	shalt  }
0x55: {  	_ =	shalt  }
0x56: {  	_ =	shalt  }
0x57: {  	_ =	shalt  }
0x58: {  	_ =	shalt  }
0x59: {  	_ =	shalt  }
0x5a: {  	_ =	shalt  }
0x5b: {  	_ =	shalt  }
0x5c: {  	_ =	shalt  }
0x5d: {  	_ =	shalt  }
0x5e: {  	_ =	shalt  }
0x5f: {  	_ =	shalt  }
0x60: {  	_ =	shalt  }
0x61: {  	_ =	shalt  }
0x62: {  	_ =	shalt  }
0x63: {  	_ =	shalt  }
0x64: {  	_ =	shalt  }
0x65: {  	_ =	shalt  }
0x66: {  	_ =	shalt  }
0x67: {  	_ =	shalt  }
0x68: {  	_ =	shalt  }
0x69: {  	_ =	shalt  }
0x6a: {  	_ =	shalt  }
0x6b: {  	_ =	shalt  }
0x6c: {  	_ =	shalt  }
0x6d: {  	_ =	shalt  }
0x6e: {  	_ =	shalt  }
0x6f: {  	_ =	shalt  }
0x70: {  	_ =	shalt  }
0x71: {  	_ =	shalt  }
0x72: {  	_ =	shalt  }
0x73: {  	_ =	shalt  }
0x74: {  	_ =	shalt  }
0x75: {  	_ =	shalt  }
0x76: {  	_ =	shalt  }
0x77: {  	_ =	shalt  }
0x78: {  	_ =	shalt  }
0x79: {  	_ =	shalt  }
0x7a: {  	_ =	shalt  }
0x7b: {  	_ =	shalt  }
0x7c: {  	_ =	shalt  }
0x7d: {  	_ =	shalt  }
0x7e: {  	_ =	shalt  }
0x7f: {  	_ =	shalt  }
0x80: {  	_ =	shalt  }
0x81: {  	_ =	shalt  }
0x82: {  	_ =	shalt  }
0x83: {  	_ =	shalt  }
0x84: {  	_ =	shalt  }
0x85: {  	_ =	shalt  }
0x86: {  	_ =	shalt  }
0x87: {  	_ =	shalt  }
.Lfunc_end0:
.L_simem_size_0:
called_computation_lowered:
.L_overlay_start_0:
0x88: {  	s2 =	sld [smem:$0x3FD9]  }
0x89: {  	s3 =	sld [smem:$0x3FFE];
	_ =	sdelay $0x1  }
0x8a: {  	s1 =	srdreg.scid  }
0x8b: {  	s0 =	sand.u32 $0x1, s1  }
0x8c: {  	s16 =	sshll.u32 s0, $0xA;
	s2 =	sadd.s32 s3, s2  }
0x8d: {  	s2 =	sadd.s32 s2, s16  }
0x8e: {  	[smem:$0x3FC5] =	sst s2  }
0x8f: {  	_ = 	snop  }
0x90: {  	(tm) =	ssettm $0x1  }
0x91: {  	s17 =	sld [smem:$0x3FFB];
	_ =	sdelay $0x3  }
0x92: {  	_ =	strace s17  }
0x93: {  	s2 =	sld [smem:$0x3FFC];
	_ =	sdelay $0x3  }
0x94: {  	_ =	strace s2  }
0x95: {  	s2 =	sld [smem:$0x3FFD];
	_ =	sdelay $0x3  }
0x96: {  	_ =	strace s2  }
0x97: {  	_ =	strace $0x8FFFFFFF  }
0x98: {  	s18 =	sld [smem:$0x3FDB];
	_ =	sdelay $0x1  }
0x99: {  	s19 =	simm.s32 $_scs_section_size  }
0x9a: {  	s4 =	simm.s32 $_size__tile_overlayer_lowered;
	s5 =	simm.s32 $_tile_overlayer_lowered  }
0x9b: {  	s22 =	simm.s32 $0x1BFF;
	s21 =	sshll.u32 s5, $0x1;
	s2 =	sadd.s32 s19, s18  }
0x9c: {  	s6 =	simm.s32 $0x0;
	s20 =	sshll.u32 s4, $0x1;
	s4 =	sadd.s32 s21, s2  }
0x9d: {  	[timem:s6], [sflag:s22] =	dma.local [hbm:s4], s20  }
0x9e: {  	_ =	swait.ge [sflag:s22], s20  }
0x9f: {  	s3 =	ssub.s32 $0x0, s20;
	[sflag:s22] =	ssyncset.done $0x0  }
0xa0: {  	[sflag:s22] =	ssyncadd.s32 s3;
	_ =	sdelay $0x1  }
0xa1: {  	s23 =	simm.s32 $0x1B8B  }
0xa2: {  	_ =	swait.ge [sflag:s23], $0x1  }
0xa3: {  	[sflag:s23] =	ssyncset.done $0x0  }
0xa4: {  	s25 =	simm.s32 $0x1B8E;
	s24 =	sld [smem:$0x3FFE];
	[sflag:s23] =	ssyncadd.s32 $0xFFFFFFFF  }
0xa5: {  	s26 =	simm.s32 $execute0_lowered;
	[smem:$0x3FD2] =	sst s25  }
0xa6: {  	s4 =	sshll.u32 s26, $0x1;
	_ =	strace $0x80000046;
	[dreg:$0x1] =	wrdreg $0xFFFFFFFF  }
0xa7: {  	s28 =	simm.s32 $_size_execute0_lowered;
	s2 =	sadd.s32 s2, s4;
	[dreg:$0x0] =	wrdreg $0x0  }
0xa8: {  	s4 =	sshll.u32 s28, $0x1;
	[dreg:$0x2] =	wrdreg s2  }
0xa9: {  	[dreg:$0x3] =	wrdreg s4  }
0xaa: {  	[dreg:$0x4] =	wrdreg $0xC0  }
0xab: {  	_ =	task [dreg:s6], $0x5FFFF  }
0xac: {  	[dreg:$0x1] =	wrdreg $0xFFFFFFFF  }
0xad: {  	[dreg:$0x0] =	wrdreg $0x60  }
0xae: {  	[dreg:$0x2] =	wrdreg s24  }
0xaf: {  	[dreg:$0x3] =	wrdreg $0x9  }
0xb0: {  	_ =	task.clear_ibuf [dreg:s6], $0x4FFFF;
	_ =	strace $0x90000046  }
0xb1: {  	s29 =	simm.s32 $0x9;
	_ =	strace $0x80000048  }
0xb2: {  	_ =	swait.ge [sflag:s29], $0x1  }
0xb3: {  	[sflag:s29] =	ssyncadd.s32 $0xFFFFFFFF  }
0xb4: {  	_ =	strace $0x90000048  }
0xb5: {  	_ =	sfence  }
0xb6: {  	s30 =	sld [smem:$0x0];
	_ =	sdelay $0x2  }
0xb7: {  	s31 =	sshll.u32 s1, $0xD;
	s1 =	sshrl.u32 s1, $0x2  }
0xb8: {  	s3 =	sand.u32 $0x4000, s31;
	s1 =	sadd.s32 s1, s30  }
0xb9: {  	s0 =	sor.u32 s3, s0;
	s1 =	sshll.u32 s1, $0x11  }
0xba: {  	s0 =	sor.u32 s1, s0  }
0xbb: {  	s0 =	sadd.s32 $0x8F2B, s0  }
0xbc: {  	[sflag:s0] =	ssyncadd.remote.s32 $0x1  }
0xbd: {  	_ =	sfence.sel $0xFFFF  }
0xbe: {  	[dreg:$0x0] =	wrdreg $0xFFFFFFFF;
	(pc) =	sbr.abs _section_cstart, $3  }
0xbf: {  	[dreg:$0x1] =	wrdreg $0xFFFFFFFF  }
0xc0: {  	_ =	task.clear_ibuf [dreg:s6], $0x2FFFF;
	_ =	strace $0x9FFFFFFF  }
0xc1: {  	(tm) =	ssettm $0x7FFFFFFF  }
tec
execute0_lowered:
.L_overlay_start_1:
0x0: {  	(tag) =	ssettag $0x1  }
0x1: {  	s0 =	rddreg [dreg:$0x0];
	s1 =	srdreg.scid;
	s2 =	simm.s32 $0x0  }
0x2: {  	s3 =	stileid.u32;
	s11 =	simm.s32 $0x7;
	s12 =	simm.s32 $0x80  }
0x3: {  	s15 =	simm.s32 $0x6500;
	s17 =	simm.s32 $0x48;
	s20 =	simm.s32 $0x3  }
0x4: {  	s21 =	simm.s32 $0x2;
	s22 =	simm.s32 $0xCA00;
	s23 =	simm.s32 $0x6580  }
0x5: {  	s24 =	simm.s32 $0x10A00;
	s25 =	simm.s32 $0x12E00;
	s28 =	simm.s32 $0x19200  }
0x6: {  	s29 =	simm.s32 $0x5;
	s30 =	simm.s32 $0x6;
	s31 =	simm.s32 $0x0  }
0x7: {  	s1 =	sand.u32 $0x1, s1;
	[smem:$0x7FF] =	sst s2;
	s4 =	sshll.u32 s3, $0x8  }
0x8: {  	s3 =	sadd.s32 $0x1200, s0;
	s6 =	sadd.s32 $0x400, s0;
	s5 =	sshll.u32 s1, $0x7  }
0x9: {  	s8 =	sadd.s32 $0x1A7C00, s0;
	s1 =	ssub.s32 $0x2, s1;
	s4 =	sor.u32 s5, s4  }
0xa: {  	_ =	strace $0x80000047;
	s9 =	sshrl.u32 s1, $0x1;
	s7 =	sshll.u32 s4, $0x5  }
0xb: {  	s5 =	sadd.s32 $0x21200, s0;
	s26 =	ssub.s32 s1, s9;
	s7 =	sadd.s32 s3, s7  }
0xc: {  	s10 =	smax.u32 s26, $0x1;
	s26 =	simm.s32 $0x4;
	s9 =	sadd.s32 $0x10, s7  }
.LBB2_1:
0xd: {  	[tilespmem:s2], [sflag:$0x7] =	stream.linear.gather [hbm4b:s6+s2], $0x6400, $0x38;
	[tilespmem:$0x1F600] =	vst v63  }
0xe: {  	_ =	swait.ge [sflag:s11], $0x6400  }
0xf: {  	[sflag:s11] =	ssyncset.done $0x0  }
0x10: {  	s0 =	simm.s32 $0x400;
	s1 =	simm.s32 $0x6400;
	[sflag:s11] =	ssyncadd.s32 $0xFFFF9C00  }
0x11: {  	[tilespmem:s1], [sflag:$0x7] =	stream.strided.gather [hbm4b:s7+s12], $0x100, s0, s12, $0x38;
	[tilespmem:$0x1F600] =	vst v63  }
0x12: {  	_ =	swait.ge [sflag:s11], $0x100  }
0x13: {  	[sflag:s11] =	ssyncset.done $0x0  }
0x14: {  	[sflag:s11] =	ssyncadd.s32 $0xFFFFFF00  }
0x15: {  	[tilespmem:s15], [sflag:$0x2] =	stream.strided.gather [hbm4b:s9+s12], $0x100, s0, s12, $0x38;
	[tilespmem:$0x1F600] =	vst v63  }
0x16: {  	s16 =	simm.s32 $0x6600  }
0x17: {  	[tilespmem:s16], [sflag:$0x3] =	stream.indirect.gather [hbm4b:s5+s12], $0x80, s1, s12, $0xb8;
	[tilespmem:$0x1F600] =	vst v63  }
0x18: {  	s18 =	simm.s32 $0x6480;
	s19 =	simm.s32 $0xA600;
	s0 =	simm.s32 $0x0  }
0x19: {  	[tilespmem:s19], [sflag:$0x3] =	stream.indirect.gather [hbm4b:s5+s17], $0x80, s18, s17, $0xb8;
	[tilespmem:$0x1F600] =	vst v63  }
.LBB2_2:
0x1a: {  	_ =	swait.ge [sflag:s20], $0x4000  }
0x1b: {  	[sflag:s20] =	ssyncset.done $0x0  }
0x1c: {  	[sflag:s20] =	ssyncadd.s32 $0xFFFFC000  }
0x1d: {  	_ =	swait.ge [sflag:s20], $0x2400  }
0x1e: {  	[sflag:s20] =	ssyncset.done $0x0  }
0x1f: {  	s16 =	sshll.u32 s0, $0x1;
	p0 =	seq.s32 s0, $0x3F;
	[sflag:s20] =	ssyncadd.s32 $0xFFFFDC00  }
0x20: {  	s1 =	sadd.s32 @!p0 $0x2, s16;
	_ =	swait.ge [sflag:s21], $0x100  }
0x21: {  	p1 =	seq.s32 @!p0 s0, $0x0;
	s13 =	sadd.s32 @!p0 s4, s1;
	[sflag:s21] =	ssyncset.done $0x0  }
0x22: {  	s1 =	sshll.u32 @!p0 s1, $0x4;
	p1 =	por p0, !p1;
	[sflag:s21] =	ssyncadd.s32 $0xFFFFFF00  }
0x23: {  	[tilespmem:s22], [sflag:$0x4] =	stream.indirect.gather [hbm4b:s5+s12], $0x80, s15, s12, $0xb8;
	[tilespmem:$0x1F600] =	vst v63  }
.Ltmp0:
0x24: {  	s13 =	sshll.u32 @!p0 s13, $0x5;
	s1 =	sand.u32 @!p0 $0x60, s1;
	(pc) =	sbr.rel @!p1 .LBB2_3-.Ltmp0, $4  }
0x25: {  	s14 =	simm.s32 @!p0 $0x400;
	s13 =	sand.u32 @!p0 $0x3FF00, s13;
	s1 =	sadd.s32 @!p0 s3, s1  }
0x26: {  	[tilespmem:s24], [sflag:$0x4] =	stream.indirect.gather [hbm4b:s5+s17], $0x80, s23, s17, $0xb8;
	[tilespmem:$0x1F600] =	vst v63  }
0x27: {  	s18 =	simm.s32 @!p0 $0x6400;
	s1 =	sadd.s32 @!p0 s13, s1;
	s13 =	simm.s32 @!p0 $0x80  }
0x28: {  	[tilespmem:s18], [sflag:$0x1] =	stream.strided.gather @!p0 [hbm4b:s1+s13], $0x100, s14, s13, $0x38;
	[tilespmem:$0x1F600] =	vst v63  }
.Ltmp1:
0x29: {  	(pc) =	sbr.rel .LBB2_5-.Ltmp1, $4  }
0x2a: {  	_ = 	snop  }
0x2b: {  	_ =	swait.ge [sflag:s29], $0x6400  }
0x2c: {  	[sflag:s29] =	ssyncset.done $0x0  }
0x2d: {  	p1 =	por $0x0, $0x0;
	[sflag:s29] =	ssyncadd.s32 $0xFFFF9C00  }
.LBB2_3:
0x2e: {  	p1 =	por @!p0 $0x1, $0x1  }
.LBB2_5:
0x2f: {  	s1 =	simm.s32 $0x6800  }
0x30: {  	s19 =	simm.s32 $0x200;
	v0 =	vld [tilespmem:s1+$0x180]  }
0x31: {  	v1 =	vld [tilespmem:s19+$0x180]  }
0x32: {  	v2 =	vld [tilespmem:s19+$0xFFFFFE00]  }
0x33: {  	v3 =	vld [tilespmem:s1+$0xFFFFFE80]  }
0x34: {  	v4 =	vld [tilespmem:s19+$0xFFFFFE80]  }
0x35: {  	v5 =	vld [tilespmem:s1+$0xFFFFFF00]  }
0x36: {  	v6 =	vld [tilespmem:s19+$0xFFFFFF00]  }
0x37: {  	v7 =	vld [tilespmem:s19+$0xFFFFFF80]  }
0x38: {  	v9 =	vld [tilespmem:s1+$0x0]  }
0x39: {  	v10 =	vld [tilespmem:s19+$0x0]  }
0x3a: {  	v11 =	vld [tilespmem:s1+$0x80]  }
0x3b: {  	v12 =	vld [tilespmem:s19+$0x80];
	v0 =	vadd.f32 v1, v0  }
0x3c: {  	s18 =	simm.s32 $0x13000;
	v1 =	vld [tilespmem:s1+$0xFFFFFF80]  }
0x3d: {  	v3 =	vadd.f32 v4, v3;
	v4 =	vld [tilespmem:s1+$0xFFFFFE00];
	[tilespmem:s18+$0x180] =	vst v0  }
0x3e: {  	v0 =	vld [tilespmem:s1+$0x190]  }
0x3f: {  	v8 =	vld [tilespmem:s19+$0x190]  }
0x40: {  	v13 =	vld [tilespmem:s1+$0x100];
	[tilespmem:s18+$0xFFFFFE80] =	vst v3;
	v3 =	vadd.f32 v6, v5  }
0x41: {  	v6 =	vld [tilespmem:s1+$0xFFFFFE90]  }
0x42: {  	[tilespmem:s18+$0xFFFFFF00] =	vst v3;
	v3 =	vld [tilespmem:s19+$0xFFFFFE90];
	v1 =	vadd.f32 v7, v1  }
0x43: {  	v2 =	vadd.f32 v2, v4;
	v4 =	vld [tilespmem:s1+$0xFFFFFF10]  }
0x44: {  	[tilespmem:s18+$0xFFFFFF80] =	vst v1;
	v1 =	vld [tilespmem:s19+$0xFFFFFF10];
	v0 =	vadd.f32 v8, v0  }
0x45: {  	[tilespmem:s18+$0xFFFFFE00] =	vst v2;
	v2 =	vld [tilespmem:s1+$0xFFFFFF90]  }
0x46: {  	v55 =	vld [tilespmem:s19+$0xFFFFFF90];
	[tilespmem:s18+$0x190] =	vst v0  }
0x47: {  	v3 =	vadd.f32 v3, v6;
	v0 =	vld [tilespmem:s1+$0x1A0]  }
0x48: {  	v5 =	vld [tilespmem:s19+$0x1A0]  }
0x49: {  	v8 =	vld [tilespmem:s19+$0x100];
	[tilespmem:s18+$0xFFFFFE90] =	vst v3;
	v1 =	vadd.f32 v1, v4  }
0x4a: {  	v4 =	vld [tilespmem:s1+$0xFFFFFEA0]  }
0x4b: {  	[tilespmem:s18+$0xFFFFFF10] =	vst v1;
	v1 =	vadd.f32 v55, v2;
	v2 =	vld [tilespmem:s19+$0xFFFFFEA0]  }
0x4c: {  	v7 =	vld [tilespmem:s19+$0xFFFFFE10]  }
0x4d: {  	v58 =	vld [tilespmem:s1+$0xFFFFFF20];
	v0 =	vadd.f32 v5, v0  }
0x4e: {  	v5 =	vld [tilespmem:s1+$0xFFFFFE10];
	[tilespmem:s18+$0xFFFFFF90] =	vst v1  }
0x4f: {  	v59 =	vld [tilespmem:s1+$0xFFFFFFA0];
	[tilespmem:s18+$0x1A0] =	vst v0;
	v0 =	vadd.f32 v10, v9  }
0x50: {  	v53 =	vld [tilespmem:s1+$0x1B0];
	v2 =	vadd.f32 v2, v4  }
0x51: {  	v54 =	vld [tilespmem:s19+$0x1B0];
	[tilespmem:s18+$0x0] =	vst v0;
	v0 =	vadd.f32 v12, v11  }
0x52: {  	v56 =	vld [tilespmem:s1+$0x10];
	[tilespmem:s18+$0xFFFFFEA0] =	vst v2  }
0x53: {  	[tilespmem:s18+$0x80] =	vst v0;
	v0 =	vadd.f32 v8, v13;
	v8 =	vld [tilespmem:s19+$0x10]  }
0x54: {  	v61 =	vld [tilespmem:s1+$0xFFFFFEB0]  }
0x55: {  	v57 =	vld [tilespmem:s1+$0x90]  }
0x56: {  	[tilespmem:s18+$0x100] =	vst v0;
	v0 =	vadd.f32 v7, v5;
	v5 =	vld [tilespmem:s19+$0x90]  }
0x57: {  	v7 =	vld [tilespmem:s1+$0x110]  }
0x58: {  	[tilespmem:s18+$0xFFFFFE10] =	vst v0;
	v0 =	vld [tilespmem:s19+$0x110]  }
0x59: {  	v6 =	vld [tilespmem:s1+$0xFFFFFE20]  }
0x5a: {  	v3 =	vld [tilespmem:s19+$0xFFFFFE20];
	v1 =	vadd.f32 v8, v56  }
0x5b: {  	v8 =	vld [tilespmem:s19+$0xFFFFFF20]  }
0x5c: {  	[tilespmem:s18+$0x10] =	vst v1;
	v1 =	vadd.f32 v5, v57;
	v5 =	vld [tilespmem:s19+$0xFFFFFFA0]  }
0x5d: {  	v60 =	vld [tilespmem:s1+$0x20]  }
0x5e: {  	[tilespmem:s18+$0x90] =	vst v1;
	v0 =	vadd.f32 v0, v7;
	v1 =	vld [tilespmem:s19+$0x20]  }
0x5f: {  	v7 =	vld [tilespmem:s1+$0xA0]  }
0x60: {  	v3 =	vadd.f32 v3, v6;
	[tilespmem:s18+$0x110] =	vst v0;
	v0 =	vld [tilespmem:s19+$0xA0]  }
0x61: {  	v2 =	vadd.f32 v8, v58;
	v6 =	vld [tilespmem:s1+$0x120]  }
0x62: {  	[tilespmem:s18+$0xFFFFFE20] =	vst v3;
	v3 =	vld [tilespmem:s19+$0x120]  }
0x63: {  	[tilespmem:s18+$0xFFFFFF20] =	vst v2;
	v2 =	vadd.f32 v5, v59;
	v5 =	vld [tilespmem:s19+$0xFFFFFEB0]  }
0x64: {  	v4 =	vld [tilespmem:s1+$0xFFFFFE30]  }
0x65: {  	v8 =	vld [tilespmem:s19+$0xFFFFFE30]  }
0x66: {  	v62 =	vld [tilespmem:s1+$0xFFFFFF30]  }
0x67: {  	[tilespmem:s18+$0xFFFFFFA0] =	vst v2;
	v1 =	vadd.f32 v1, v60;
	v2 =	vld [tilespmem:s19+$0xFFFFFF30]  }
0x68: {  	v9 =	vadd.f32 v54, v53;
	v63 =	vld [tilespmem:s1+$0xFFFFFFB0]  }
0x69: {  	[tilespmem:s18+$0x20] =	vst v1;
	v1 =	vadd.f32 v0, v7;
	v7 =	vld [tilespmem:s19+$0xFFFFFFB0]  }
0x6a: {  	[tilespmem:s18+$0x1B0] =	vst v9;
	v6 =	vadd.f32 v3, v6;
	v0 =	vld [tilespmem:s1+$0x30]  }
0x6b: {  	v3 =	vld [tilespmem:s19+$0x30];
	[tilespmem:s18+$0xA0] =	vst v1;
	v4 =	vadd.f32 v8, v4  }
0x6c: {  	[tilespmem:s18+$0x120] =	vst v6;
	v1 =	vld [tilespmem:s1+$0xB0];
	v6 =	vadd.f32 v2, v62  }
0x6d: {  	v5 =	vadd.f32 v5, v61;
	[tilespmem:s18+$0xFFFFFE30] =	vst v4;
	v4 =	vld [tilespmem:s19+$0xB0]  }
0x6e: {  	v2 =	vld [tilespmem:s1+$0x130];
	[tilespmem:s18+$0xFFFFFF30] =	vst v6;
	v6 =	vadd.f32 v7, v63  }
0x6f: {  	s13 =	simm.s32 $0x0;
	s14 =	simm.s32 $0x6C00;
	[tilespmem:s18+$0xFFFFFEB0] =	vst v5;
	s1 =	sshllo.u32 s0, $0x1;
	v5 =	vld [tilespmem:s19+$0x130]  }
.LBB2_6:
0x70: {  	v7 =	vld [tilespmem:s14+$0x180];
	[tilespmem:s18+$0xFFFFFFB0] =	vst v6;
	v0 =	vadd.f32 v3, v0;
	s19 =	sadd.s32 $0x400, s19  }
0x71: {  	v3 =	vld [tilespmem:s19+$0x180]  }
0x72: {  	v6 =	vld [tilespmem:s19+$0xFFFFFE00];
	[tilespmem:s18+$0x30] =	vst v0;
	v0 =	vadd.f32 v4, v1  }
0x73: {  	v1 =	vld [tilespmem:s14+$0xFFFFFE80]  }
0x74: {  	s13 =	sadd.s32 $0x8, s13;
	v4 =	vld [tilespmem:s19+$0xFFFFFE80];
	[tilespmem:s18+$0xB0] =	vst v0;
	v0 =	vadd.f32 v5, v2  }
0x75: {  	p2 =	slt.u32 s13, $0xC0;
	v2 =	vld [tilespmem:s14+$0xFFFFFF00]  }
0x76: {  	v5 =	vld [tilespmem:s19+$0xFFFFFF00];
	v3 =	vadd.f32 v3, v7;
	[tilespmem:s18+$0x130] =	vst v0  }
0x77: {  	s18 =	sadd.s32 $0x400, s18;
	v0 =	vld [tilespmem:s14+$0xFFFFFF80]  }
0x78: {  	v7 =	vld [tilespmem:s19+$0xFFFFFF80];
	[tilespmem:s18+$0x180] =	vst v3  }
0x79: {  	v1 =	vadd.f32 v4, v1;
	v3 =	vld [tilespmem:s14+$0x190]  }
0x7a: {  	v4 =	vld [tilespmem:s19+$0x190]  }
0x7b: {  	[tilespmem:s18+$0xFFFFFE80] =	vst v1;
	v1 =	vadd.f32 v5, v2;
	v2 =	vld [tilespmem:s14+$0x0]  }
0x7c: {  	v5 =	vld [tilespmem:s19+$0x0]  }
0x7d: {  	[tilespmem:s18+$0xFFFFFF00] =	vst v1;
	v0 =	vadd.f32 v7, v0;
	v1 =	vld [tilespmem:s14+$0x80]  }
0x7e: {  	v7 =	vld [tilespmem:s19+$0x80]  }
0x7f: {  	[tilespmem:s18+$0xFFFFFF80] =	vst v0;
	v0 =	vld [tilespmem:s14+$0x100];
	v3 =	vadd.f32 v4, v3  }
0x80: {  	v4 =	vld [tilespmem:s19+$0x100]  }
0x81: {  	v8 =	vld [tilespmem:s14+$0xFFFFFE00];
	v2 =	vadd.f32 v5, v2;
	[tilespmem:s18+$0x190] =	vst v3  }
0x82: {  	v3 =	vld [tilespmem:s14+$0x1A0]  }
0x83: {  	[tilespmem:s18+$0x0] =	vst v2;
	v1 =	vadd.f32 v7, v1;
	v2 =	vld [tilespmem:s19+$0x1A0]  }
0x84: {  	v5 =	vld [tilespmem:s14+$0xFFFFFE90]  }
0x85: {  	v7 =	vld [tilespmem:s19+$0xFFFFFE90];
	[tilespmem:s18+$0x80] =	vst v1;
	v0 =	vadd.f32 v4, v0  }
0x86: {  	v1 =	vadd.f32 v6, v8;
	v4 =	vld [tilespmem:s14+$0xFFFFFF10]  }
0x87: {  	v6 =	vld [tilespmem:s19+$0xFFFFFF10];
	[tilespmem:s18+$0x100] =	vst v0  }
0x88: {  	[tilespmem:s18+$0xFFFFFE00] =	vst v1;
	v0 =	vld [tilespmem:s14+$0xFFFFFF90];
	v1 =	vadd.f32 v2, v3  }
0x89: {  	v2 =	vld [tilespmem:s14+$0xFFFFFE10]  }
0x8a: {  	v3 =	vld [tilespmem:s19+$0xFFFFFE10];
	v5 =	vadd.f32 v7, v5;
	[tilespmem:s18+$0x1A0] =	vst v1  }
0x8b: {  	v1 =	vld [tilespmem:s14+$0x1B0]  }
0x8c: {  	[tilespmem:s18+$0xFFFFFE90] =	vst v5;
	v4 =	vadd.f32 v6, v4;
	v5 =	vld [tilespmem:s19+$0x1B0]  }
0x8d: {  	v6 =	vld [tilespmem:s19+$0xFFFFFF90]  }
0x8e: {  	[tilespmem:s18+$0xFFFFFF10] =	vst v4;
	v4 =	vld [tilespmem:s14+$0x10]  }
0x8f: {  	v2 =	vadd.f32 v3, v2;
	v3 =	vld [tilespmem:s19+$0x10]  }
0x90: {  	v7 =	vld [tilespmem:s14+$0x90]  }
0x91: {  	[tilespmem:s18+$0xFFFFFE10] =	vst v2;
	v2 =	vld [tilespmem:s19+$0x90];
	v1 =	vadd.f32 v5, v1  }
0x92: {  	v0 =	vadd.f32 v6, v0;
	v5 =	vld [tilespmem:s14+$0x110]  }
0x93: {  	v6 =	vld [tilespmem:s19+$0x110];
	[tilespmem:s18+$0x1B0] =	vst v1  }
0x94: {  	v1 =	vld [tilespmem:s14+$0xFFFFFE20];
	[tilespmem:s18+$0xFFFFFF90] =	vst v0;
	v0 =	vadd.f32 v3, v4  }
0x95: {  	v3 =	vld [tilespmem:s19+$0xFFFFFE20]  }
0x96: {  	v4 =	vld [tilespmem:s14+$0xFFFFFEA0];
	[tilespmem:s18+$0x10] =	vst v0;
	v0 =	vadd.f32 v2, v7  }
0x97: {  	v2 =	vld [tilespmem:s19+$0xFFFFFEA0]  }
0x98: {  	v7 =	vld [tilespmem:s14+$0xFFFFFF20];
	[tilespmem:s18+$0x90] =	vst v0;
	v0 =	vadd.f32 v6, v5  }
0x99: {  	v5 =	vld [tilespmem:s19+$0xFFFFFF20]  }
0x9a: {  	v1 =	vadd.f32 v3, v1;
	v3 =	vld [tilespmem:s14+$0xFFFFFFA0];
	[tilespmem:s18+$0x110] =	vst v0  }
0x9b: {  	v0 =	vld [tilespmem:s19+$0xFFFFFFA0]  }
0x9c: {  	[tilespmem:s18+$0xFFFFFE20] =	vst v1;
	v1 =	vadd.f32 v2, v4;
	v2 =	vld [tilespmem:s14+$0x20]  }
0x9d: {  	v4 =	vld [tilespmem:s19+$0x20]  }
0x9e: {  	[tilespmem:s18+$0xFFFFFEA0] =	vst v1;
	v1 =	vadd.f32 v5, v7;
	v5 =	vld [tilespmem:s14+$0xA0]  }
0x9f: {  	v6 =	vld [tilespmem:s19+$0xA0]  }
0xa0: {  	[tilespmem:s18+$0xFFFFFF20] =	vst v1;
	v0 =	vadd.f32 v0, v3;
	v1 =	vld [tilespmem:s14+$0x120]  }
0xa1: {  	v3 =	vld [tilespmem:s19+$0x120]  }
0xa2: {  	v7 =	vld [tilespmem:s14+$0xFFFFFE30];
	[tilespmem:s18+$0xFFFFFFA0] =	vst v0;
	v0 =	vadd.f32 v4, v2  }
0xa3: {  	v2 =	vld [tilespmem:s19+$0xFFFFFE30]  }
0xa4: {  	v4 =	vld [tilespmem:s14+$0xFFFFFEB0];
	[tilespmem:s18+$0x20] =	vst v0;
	v0 =	vadd.f32 v6, v5  }
0xa5: {  	v5 =	vld [tilespmem:s19+$0xFFFFFEB0]  }
0xa6: {  	v6 =	vld [tilespmem:s14+$0xFFFFFF30];
	[tilespmem:s18+$0xA0] =	vst v0;
	v0 =	vadd.f32 v3, v1  }
0xa7: {  	v1 =	vld [tilespmem:s19+$0xFFFFFF30]  }
0xa8: {  	v2 =	vadd.f32 v2, v7;
	v7 =	vld [tilespmem:s14+$0xFFFFFFB0];
	[tilespmem:s18+$0x120] =	vst v0  }
0xa9: {  	v8 =	vld [tilespmem:s19+$0xFFFFFFB0]  }
0xaa: {  	[tilespmem:s18+$0xFFFFFE30] =	vst v2;
	v2 =	vadd.f32 v5, v4;
	v0 =	vld [tilespmem:s14+$0x30]  }
.Ltmp2:
0xab: {  	v3 =	vld [tilespmem:s19+$0x30];
	(pc) =	sbr.rel @p2 .LBB2_6-.Ltmp2, $4  }
0xac: {  	[tilespmem:s18+$0xFFFFFEB0] =	vst v2;
	v2 =	vadd.f32 v1, v6;
	v1 =	vld [tilespmem:s14+$0xB0]  }
0xad: {  	v4 =	vld [tilespmem:s19+$0xB0]  }
0xae: {  	[tilespmem:s18+$0xFFFFFF30] =	vst v2;
	v6 =	vadd.f32 v8, v7;
	v2 =	vld [tilespmem:s14+$0x130]  }
0xaf: {  	s14 =	sadd.s32 $0x400, s14;
	v5 =	vld [tilespmem:s19+$0x130]  }
0xb0: {  	_ =	sdelay $0x1  }
0xb1: {  	v0 =	vadd.f32 v3, v0  }
0xb2: {  	[tilespmem:s18+$0xFFFFFFB0] =	vst v6;
	s13 =	sadd.s32 s4, s16;
	v1 =	vadd.f32 v4, v1  }
0xb3: {  	s13 =	smul.u32 $0xC80, s13;
	[tilespmem:s18+$0x30] =	vst v0;
	v0 =	vadd.f32 v5, v2  }
0xb4: {  	[tilespmem:s18+$0xB0] =	vst v1  }
0xb5: {  	s13 =	sadd.s32 s8, s13;
	[tilespmem:s18+$0x130] =	vst v0  }
0xb6: {  	[hbm4b:s13+s2] =	stream.linear.scatter [tilespmem:s25], [sflag:$0x5], $0x6400, $0x38;
	[tilespmem:$0x1F600] =	vst v63  }
0xb7: {  	_ =	swait.ge [sflag:s26], $0x4000  }
0xb8: {  	[sflag:s26] =	ssyncset.done $0x0  }
0xb9: {  	[sflag:s26] =	ssyncadd.s32 $0xFFFFC000  }
0xba: {  	_ =	swait.ge [sflag:s26], $0x2400  }
0xbb: {  	[sflag:s26] =	ssyncset.done $0x0  }
0xbc: {  	s13 =	simm.s32 @!p0 $0x1;
	[sflag:s26] =	ssyncadd.s32 $0xFFFFDC00  }
0xbd: {  	_ =	swait.ge @!p0 [sflag:s13], $0x100  }
0xbe: {  	s14 =	simm.s32 @!p0 $0x6400;
	[sflag:s13] =	ssyncset.done @!p0 $0x0  }
0xbf: {  	s18 =	simm.s32 @!p0 $0x6600;
	[sflag:s13] =	ssyncadd.s32 @!p0 $0xFFFFFF00;
	s13 =	simm.s32 @!p0 $0x80  }
0xc0: {  	[tilespmem:s18], [sflag:$0x3] =	stream.indirect.gather @!p0 [hbm4b:s5+s13], $0x80, s14, s13, $0xb8;
	[tilespmem:$0x1F600] =	vst v63  }
0xc1: {  	s19 =	simm.s32 @!p0 $0xA600;
	s14 =	simm.s32 @!p0 $0x48;
	s18 =	simm.s32 @!p0 $0x6480  }
0xc2: {  	[tilespmem:s19], [sflag:$0x3] =	stream.indirect.gather @!p0 [hbm4b:s5+s14], $0x80, s18, s14, $0xb8;
	[tilespmem:$0x1F600] =	vst v63  }
0xc3: {  	s14 =	sadd.s32 @!p0 $0x3, s16  }
0xc4: {  	s16 =	sadd.s32 @!p0 s4, s14;
	s14 =	sshll.u32 @!p0 s14, $0x4  }
0xc5: {  	s16 =	sshll.u32 @!p0 s16, $0x5;
	s14 =	sand.u32 @!p0 $0x70, s14  }
0xc6: {  	s16 =	sand.u32 @!p0 $0x3FF00, s16;
	s14 =	sadd.s32 @!p0 s3, s14  }
0xc7: {  	s18 =	simm.s32 @!p0 $0x6500;
	s14 =	sadd.s32 @!p0 s16, s14;
	s16 =	simm.s32 @!p0 $0x400  }
0xc8: {  	[tilespmem:s18], [sflag:$0x2] =	stream.strided.gather @!p0 [hbm4b:s14+s13], $0x100, s16, s13, $0x38;
	[tilespmem:$0x1F600] =	vst v63  }
0xc9: {  	p0 =	por p0, !p1  }
0xca: {  	_ =	swait.ge @p0 [sflag:s30], $0x6400  }
0xcb: {  	[sflag:s30] =	ssyncset.done @p0 $0x0  }
0xcc: {  	s19 =	simm.s32 $0xCC00;
	[sflag:s30] =	ssyncadd.s32 @p0 $0xFFFF9C00  }
0xcd: {  	s18 =	simm.s32 $0x200;
	v0 =	vld [tilespmem:s19+$0x180]  }
0xce: {  	v1 =	vld [tilespmem:s18+$0x180]  }
0xcf: {  	v2 =	vld [tilespmem:s18+$0xFFFFFE00]  }
0xd0: {  	v3 =	vld [tilespmem:s19+$0xFFFFFE80]  }
0xd1: {  	v4 =	vld [tilespmem:s18+$0xFFFFFE80]  }
0xd2: {  	v5 =	vld [tilespmem:s19+$0xFFFFFF00]  }
0xd3: {  	v6 =	vld [tilespmem:s18+$0xFFFFFF00]  }
0xd4: {  	v7 =	vld [tilespmem:s18+$0xFFFFFF80]  }
0xd5: {  	v9 =	vld [tilespmem:s19+$0x0]  }
0xd6: {  	v10 =	vld [tilespmem:s18+$0x0]  }
0xd7: {  	v11 =	vld [tilespmem:s19+$0x80]  }
0xd8: {  	v12 =	vld [tilespmem:s18+$0x80];
	v0 =	vadd.f32 v1, v0  }
0xd9: {  	s16 =	simm.s32 $0x19400;
	v1 =	vld [tilespmem:s19+$0xFFFFFF80]  }
0xda: {  	v3 =	vadd.f32 v4, v3;
	v4 =	vld [tilespmem:s19+$0xFFFFFE00];
	[tilespmem:s16+$0x180] =	vst v0  }
0xdb: {  	v0 =	vld [tilespmem:s19+$0x190]  }
0xdc: {  	v8 =	vld [tilespmem:s18+$0x190]  }
0xdd: {  	v13 =	vld [tilespmem:s19+$0x100];
	[tilespmem:s16+$0xFFFFFE80] =	vst v3;
	v3 =	vadd.f32 v6, v5  }
0xde: {  	v6 =	vld [tilespmem:s19+$0xFFFFFE90]  }
0xdf: {  	[tilespmem:s16+$0xFFFFFF00] =	vst v3;
	v3 =	vld [tilespmem:s18+$0xFFFFFE90];
	v1 =	vadd.f32 v7, v1  }
0xe0: {  	v2 =	vadd.f32 v2, v4;
	v4 =	vld [tilespmem:s19+$0xFFFFFF10]  }
0xe1: {  	[tilespmem:s16+$0xFFFFFF80] =	vst v1;
	v1 =	vld [tilespmem:s18+$0xFFFFFF10];
	v0 =	vadd.f32 v8, v0  }
0xe2: {  	[tilespmem:s16+$0xFFFFFE00] =	vst v2;
	v2 =	vld [tilespmem:s19+$0xFFFFFF90]  }
0xe3: {  	v55 =	vld [tilespmem:s18+$0xFFFFFF90];
	[tilespmem:s16+$0x190] =	vst v0  }
0xe4: {  	v3 =	vadd.f32 v3, v6;
	v0 =	vld [tilespmem:s19+$0x1A0]  }
0xe5: {  	v5 =	vld [tilespmem:s18+$0x1A0]  }
0xe6: {  	v8 =	vld [tilespmem:s18+$0x100];
	[tilespmem:s16+$0xFFFFFE90] =	vst v3;
	v1 =	vadd.f32 v1, v4  }
0xe7: {  	v4 =	vld [tilespmem:s19+$0xFFFFFEA0]  }
0xe8: {  	[tilespmem:s16+$0xFFFFFF10] =	vst v1;
	v1 =	vadd.f32 v55, v2;
	v2 =	vld [tilespmem:s18+$0xFFFFFEA0]  }
0xe9: {  	v7 =	vld [tilespmem:s18+$0xFFFFFE10]  }
0xea: {  	v58 =	vld [tilespmem:s19+$0xFFFFFF20];
	v0 =	vadd.f32 v5, v0  }
0xeb: {  	v5 =	vld [tilespmem:s19+$0xFFFFFE10];
	[tilespmem:s16+$0xFFFFFF90] =	vst v1  }
0xec: {  	v59 =	vld [tilespmem:s19+$0xFFFFFFA0];
	[tilespmem:s16+$0x1A0] =	vst v0;
	v0 =	vadd.f32 v10, v9  }
0xed: {  	v53 =	vld [tilespmem:s19+$0x1B0];
	v2 =	vadd.f32 v2, v4  }
0xee: {  	v54 =	vld [tilespmem:s18+$0x1B0];
	[tilespmem:s16+$0x0] =	vst v0;
	v0 =	vadd.f32 v12, v11  }
0xef: {  	v56 =	vld [tilespmem:s19+$0x10];
	[tilespmem:s16+$0xFFFFFEA0] =	vst v2  }
0xf0: {  	[tilespmem:s16+$0x80] =	vst v0;
	v0 =	vadd.f32 v8, v13;
	v8 =	vld [tilespmem:s18+$0x10]  }
0xf1: {  	v61 =	vld [tilespmem:s19+$0xFFFFFEB0]  }
0xf2: {  	v57 =	vld [tilespmem:s19+$0x90]  }
0xf3: {  	[tilespmem:s16+$0x100] =	vst v0;
	v0 =	vadd.f32 v7, v5;
	v5 =	vld [tilespmem:s18+$0x90]  }
0xf4: {  	v7 =	vld [tilespmem:s19+$0x110]  }
0xf5: {  	[tilespmem:s16+$0xFFFFFE10] =	vst v0;
	v0 =	vld [tilespmem:s18+$0x110]  }
0xf6: {  	v6 =	vld [tilespmem:s19+$0xFFFFFE20]  }
0xf7: {  	v3 =	vld [tilespmem:s18+$0xFFFFFE20];
	v1 =	vadd.f32 v8, v56  }
0xf8: {  	v8 =	vld [tilespmem:s18+$0xFFFFFF20]  }
0xf9: {  	[tilespmem:s16+$0x10] =	vst v1;
	v1 =	vadd.f32 v5, v57;
	v5 =	vld [tilespmem:s18+$0xFFFFFFA0]  }
0xfa: {  	v60 =	vld [tilespmem:s19+$0x20]  }
0xfb: {  	[tilespmem:s16+$0x90] =	vst v1;
	v0 =	vadd.f32 v0, v7;
	v1 =	vld [tilespmem:s18+$0x20]  }
0xfc: {  	v7 =	vld [tilespmem:s19+$0xA0]  }
0xfd: {  	v3 =	vadd.f32 v3, v6;
	[tilespmem:s16+$0x110] =	vst v0;
	v0 =	vld [tilespmem:s18+$0xA0]  }
0xfe: {  	v2 =	vadd.f32 v8, v58;
	v6 =	vld [tilespmem:s19+$0x120]  }
0xff: {  	[tilespmem:s16+$0xFFFFFE20] =	vst v3;
	v3 =	vld [tilespmem:s18+$0x120]  }
0x100: {  	[tilespmem:s16+$0xFFFFFF20] =	vst v2;
	v2 =	vadd.f32 v5, v59;
	v5 =	vld [tilespmem:s18+$0xFFFFFEB0]  }
0x101: {  	v4 =	vld [tilespmem:s19+$0xFFFFFE30]  }
0x102: {  	v8 =	vld [tilespmem:s18+$0xFFFFFE30]  }
0x103: {  	v62 =	vld [tilespmem:s19+$0xFFFFFF30]  }
0x104: {  	[tilespmem:s16+$0xFFFFFFA0] =	vst v2;
	v1 =	vadd.f32 v1, v60;
	v2 =	vld [tilespmem:s18+$0xFFFFFF30]  }
0x105: {  	v9 =	vadd.f32 v54, v53;
	v63 =	vld [tilespmem:s19+$0xFFFFFFB0]  }
0x106: {  	[tilespmem:s16+$0x20] =	vst v1;
	v1 =	vadd.f32 v0, v7;
	v7 =	vld [tilespmem:s18+$0xFFFFFFB0]  }
0x107: {  	[tilespmem:s16+$0x1B0] =	vst v9;
	v6 =	vadd.f32 v3, v6;
	v0 =	vld [tilespmem:s19+$0x30]  }
0x108: {  	v3 =	vld [tilespmem:s18+$0x30];
	[tilespmem:s16+$0xA0] =	vst v1;
	v4 =	vadd.f32 v8, v4  }
0x109: {  	[tilespmem:s16+$0x120] =	vst v6;
	v1 =	vld [tilespmem:s19+$0xB0];
	v6 =	vadd.f32 v2, v62  }
0x10a: {  	v5 =	vadd.f32 v5, v61;
	[tilespmem:s16+$0xFFFFFE30] =	vst v4;
	v4 =	vld [tilespmem:s18+$0xB0]  }
0x10b: {  	v2 =	vld [tilespmem:s19+$0x130];
	[tilespmem:s16+$0xFFFFFF30] =	vst v6;
	v6 =	vadd.f32 v7, v63  }
0x10c: {  	s13 =	simm.s32 $0x0;
	s14 =	simm.s32 $0xD000;
	[tilespmem:s16+$0xFFFFFEB0] =	vst v5;
	v5 =	vld [tilespmem:s18+$0x130]  }
.LBB2_8:
0x10d: {  	v7 =	vld [tilespmem:s14+$0x180];
	[tilespmem:s16+$0xFFFFFFB0] =	vst v6;
	v0 =	vadd.f32 v3, v0;
	s18 =	sadd.s32 $0x400, s18  }
0x10e: {  	v3 =	vld [tilespmem:s18+$0x180]  }
0x10f: {  	v6 =	vld [tilespmem:s18+$0xFFFFFE00];
	[tilespmem:s16+$0x30] =	vst v0;
	v0 =	vadd.f32 v4, v1  }
0x110: {  	v1 =	vld [tilespmem:s14+$0xFFFFFE80]  }
0x111: {  	s13 =	sadd.s32 $0x8, s13;
	v4 =	vld [tilespmem:s18+$0xFFFFFE80];
	[tilespmem:s16+$0xB0] =	vst v0;
	v0 =	vadd.f32 v5, v2  }
0x112: {  	p0 =	slt.u32 s13, $0xC0;
	v2 =	vld [tilespmem:s14+$0xFFFFFF00]  }
0x113: {  	v5 =	vld [tilespmem:s18+$0xFFFFFF00];
	v3 =	vadd.f32 v3, v7;
	[tilespmem:s16+$0x130] =	vst v0  }
0x114: {  	s16 =	sadd.s32 $0x400, s16;
	v0 =	vld [tilespmem:s14+$0xFFFFFF80]  }
0x115: {  	v7 =	vld [tilespmem:s18+$0xFFFFFF80];
	[tilespmem:s16+$0x180] =	vst v3  }
0x116: {  	v1 =	vadd.f32 v4, v1;
	v3 =	vld [tilespmem:s14+$0x190]  }
0x117: {  	v4 =	vld [tilespmem:s18+$0x190]  }
0x118: {  	[tilespmem:s16+$0xFFFFFE80] =	vst v1;
	v1 =	vadd.f32 v5, v2;
	v2 =	vld [tilespmem:s14+$0x0]  }
0x119: {  	v5 =	vld [tilespmem:s18+$0x0]  }
0x11a: {  	[tilespmem:s16+$0xFFFFFF00] =	vst v1;
	v0 =	vadd.f32 v7, v0;
	v1 =	vld [tilespmem:s14+$0x80]  }
0x11b: {  	v7 =	vld [tilespmem:s18+$0x80]  }
0x11c: {  	[tilespmem:s16+$0xFFFFFF80] =	vst v0;
	v0 =	vld [tilespmem:s14+$0x100];
	v3 =	vadd.f32 v4, v3  }
0x11d: {  	v4 =	vld [tilespmem:s18+$0x100]  }
0x11e: {  	v8 =	vld [tilespmem:s14+$0xFFFFFE00];
	v2 =	vadd.f32 v5, v2;
	[tilespmem:s16+$0x190] =	vst v3  }
0x11f: {  	v3 =	vld [tilespmem:s14+$0x1A0]  }
0x120: {  	[tilespmem:s16+$0x0] =	vst v2;
	v1 =	vadd.f32 v7, v1;
	v2 =	vld [tilespmem:s18+$0x1A0]  }
0x121: {  	v5 =	vld [tilespmem:s14+$0xFFFFFE90]  }
0x122: {  	v7 =	vld [tilespmem:s18+$0xFFFFFE90];
	[tilespmem:s16+$0x80] =	vst v1;
	v0 =	vadd.f32 v4, v0  }
0x123: {  	v1 =	vadd.f32 v6, v8;
	v4 =	vld [tilespmem:s14+$0xFFFFFF10]  }
0x124: {  	v6 =	vld [tilespmem:s18+$0xFFFFFF10];
	[tilespmem:s16+$0x100] =	vst v0  }
0x125: {  	[tilespmem:s16+$0xFFFFFE00] =	vst v1;
	v0 =	vld [tilespmem:s14+$0xFFFFFF90];
	v1 =	vadd.f32 v2, v3  }
0x126: {  	v2 =	vld [tilespmem:s14+$0xFFFFFE10]  }
0x127: {  	v3 =	vld [tilespmem:s18+$0xFFFFFE10];
	v5 =	vadd.f32 v7, v5;
	[tilespmem:s16+$0x1A0] =	vst v1  }
0x128: {  	v1 =	vld [tilespmem:s14+$0x1B0]  }
0x129: {  	[tilespmem:s16+$0xFFFFFE90] =	vst v5;
	v4 =	vadd.f32 v6, v4;
	v5 =	vld [tilespmem:s18+$0x1B0]  }
0x12a: {  	v6 =	vld [tilespmem:s18+$0xFFFFFF90]  }
0x12b: {  	[tilespmem:s16+$0xFFFFFF10] =	vst v4;
	v4 =	vld [tilespmem:s14+$0x10]  }
0x12c: {  	v2 =	vadd.f32 v3, v2;
	v3 =	vld [tilespmem:s18+$0x10]  }
0x12d: {  	v7 =	vld [tilespmem:s14+$0x90]  }
0x12e: {  	[tilespmem:s16+$0xFFFFFE10] =	vst v2;
	v2 =	vld [tilespmem:s18+$0x90];
	v1 =	vadd.f32 v5, v1  }
0x12f: {  	v0 =	vadd.f32 v6, v0;
	v5 =	vld [tilespmem:s14+$0x110]  }
0x130: {  	v6 =	vld [tilespmem:s18+$0x110];
	[tilespmem:s16+$0x1B0] =	vst v1  }
0x131: {  	v1 =	vld [tilespmem:s14+$0xFFFFFE20];
	[tilespmem:s16+$0xFFFFFF90] =	vst v0;
	v0 =	vadd.f32 v3, v4  }
0x132: {  	v3 =	vld [tilespmem:s18+$0xFFFFFE20]  }
0x133: {  	v4 =	vld [tilespmem:s14+$0xFFFFFEA0];
	[tilespmem:s16+$0x10] =	vst v0;
	v0 =	vadd.f32 v2, v7  }
0x134: {  	v2 =	vld [tilespmem:s18+$0xFFFFFEA0]  }
0x135: {  	v7 =	vld [tilespmem:s14+$0xFFFFFF20];
	[tilespmem:s16+$0x90] =	vst v0;
	v0 =	vadd.f32 v6, v5  }
0x136: {  	v5 =	vld [tilespmem:s18+$0xFFFFFF20]  }
0x137: {  	v1 =	vadd.f32 v3, v1;
	v3 =	vld [tilespmem:s14+$0xFFFFFFA0];
	[tilespmem:s16+$0x110] =	vst v0  }
0x138: {  	v0 =	vld [tilespmem:s18+$0xFFFFFFA0]  }
0x139: {  	[tilespmem:s16+$0xFFFFFE20] =	vst v1;
	v1 =	vadd.f32 v2, v4;
	v2 =	vld [tilespmem:s14+$0x20]  }
0x13a: {  	v4 =	vld [tilespmem:s18+$0x20]  }
0x13b: {  	[tilespmem:s16+$0xFFFFFEA0] =	vst v1;
	v1 =	vadd.f32 v5, v7;
	v5 =	vld [tilespmem:s14+$0xA0]  }
0x13c: {  	v6 =	vld [tilespmem:s18+$0xA0]  }
0x13d: {  	[tilespmem:s16+$0xFFFFFF20] =	vst v1;
	v0 =	vadd.f32 v0, v3;
	v1 =	vld [tilespmem:s14+$0x120]  }
0x13e: {  	v3 =	vld [tilespmem:s18+$0x120]  }
0x13f: {  	v7 =	vld [tilespmem:s14+$0xFFFFFE30];
	[tilespmem:s16+$0xFFFFFFA0] =	vst v0;
	v0 =	vadd.f32 v4, v2  }
0x140: {  	v2 =	vld [tilespmem:s18+$0xFFFFFE30]  }
0x141: {  	v4 =	vld [tilespmem:s14+$0xFFFFFEB0];
	[tilespmem:s16+$0x20] =	vst v0;
	v0 =	vadd.f32 v6, v5  }
0x142: {  	v5 =	vld [tilespmem:s18+$0xFFFFFEB0]  }
0x143: {  	v6 =	vld [tilespmem:s14+$0xFFFFFF30];
	[tilespmem:s16+$0xA0] =	vst v0;
	v0 =	vadd.f32 v3, v1  }
0x144: {  	v1 =	vld [tilespmem:s18+$0xFFFFFF30]  }
0x145: {  	v2 =	vadd.f32 v2, v7;
	v7 =	vld [tilespmem:s14+$0xFFFFFFB0];
	[tilespmem:s16+$0x120] =	vst v0  }
0x146: {  	v8 =	vld [tilespmem:s18+$0xFFFFFFB0]  }
0x147: {  	[tilespmem:s16+$0xFFFFFE30] =	vst v2;
	v2 =	vadd.f32 v5, v4;
	v0 =	vld [tilespmem:s14+$0x30]  }
.Ltmp3:
0x148: {  	v3 =	vld [tilespmem:s18+$0x30];
	(pc) =	sbr.rel @p0 .LBB2_8-.Ltmp3, $4  }
0x149: {  	[tilespmem:s16+$0xFFFFFEB0] =	vst v2;
	v2 =	vadd.f32 v1, v6;
	v1 =	vld [tilespmem:s14+$0xB0]  }
0x14a: {  	v4 =	vld [tilespmem:s18+$0xB0]  }
0x14b: {  	[tilespmem:s16+$0xFFFFFF30] =	vst v2;
	v6 =	vadd.f32 v8, v7;
	v2 =	vld [tilespmem:s14+$0x130]  }
0x14c: {  	s14 =	sadd.s32 $0x400, s14;
	v5 =	vld [tilespmem:s18+$0x130]  }
0x14d: {  	_ = 	snop  }
0x14e: {  	s0 =	sadd.s32 $0x1, s0  }
0x14f: {  	v0 =	vadd.f32 v3, v0;
	p0 =	sne.s32 s0, $0x40  }
.Ltmp4:
0x150: {  	[tilespmem:s16+$0xFFFFFFB0] =	vst v6;
	s1 =	sadd.s32 s4, s1;
	v1 =	vadd.f32 v4, v1;
	(pc) =	sbr.rel @p0 .LBB2_2-.Ltmp4, $4  }
0x151: {  	s1 =	smul.u32 $0xC80, s1;
	[tilespmem:s16+$0x30] =	vst v0;
	v63 =	vadd.f32 v5, v2  }
0x152: {  	[tilespmem:s16+$0xB0] =	vst v1  }
0x153: {  	s1 =	sadd.s32 s8, s1;
	[tilespmem:s16+$0x130] =	vst v63  }
0x154: {  	[hbm4b:s1+s2] =	stream.linear.scatter [tilespmem:s28], [sflag:$0x6], $0x6400, $0x38;
	[tilespmem:$0x1F600] =	vst v63  }
0x155: {  	s31 =	sadd.s32 $0x1, s31  }
0x156: {  	_ =	swait.ge [sflag:s29], $0x6400;
	p0 =	sne.s32 s31, s10  }
.Ltmp5:
0x157: {  	[sflag:s29] =	ssyncset.done $0x0;
	(pc) =	sbr.rel @p0 .LBB2_1-.Ltmp5, $4  }
0x158: {  	[sflag:s29] =	ssyncadd.s32 $0xFFFF9C00  }
0x159: {  	_ =	swait.ge [sflag:s30], $0x6400  }
0x15a: {  	[sflag:s30] =	ssyncset.done $0x0  }
0x15b: {  	[sflag:s30] =	ssyncadd.s32 $0xFFFF9C00  }
0x15c: {  	_ =	sfence.sel $0x180000  }
0x15d: {  	[bflag:$0x0] =	sbarrier.arrive $0xFFFF  }
0x15e: {  	_ =	strace $0x90000047  }
0x15f: {  	s0 =	stileid.u32;
	[bflag:$0x2] =	sbarrier.arrive $0xFFFF  }
0x160: {  	p0 =	sne.s32 s0, $0x0;
	s0 =	rddreg [dreg:$0x1]  }
0x161: {  	s0 =	sadd.s32 @!p0 $0x100000, s0  }
0x162: {  	[sflag:s0] =	ssyncadd.tile.s32 @!p0 $0x1;
	_ =	shalt  }
.Lfunc_end2:
_tile_overlayer_lowered:
.L_overlay_start_2:
0x163: {  	(tag) =	ssettag $0x2  }
0x164: {  	s0 =	rddreg [dreg:$0x0];
	s2 =	stileid.u32  }
0x165: {  	s1 =	rddreg [dreg:$0x1];
	p0 =	sne.s32 s2, $0x0  }
0x166: {  	s3 =	rddreg [dreg:$0x2];
	[bflag:$0x3] =	sbarrier.arrive $0xFFFF;
	s2 =	simm.s32 @!p0 $0x1C07  }
0x167: {  	[timem:s3], [sflag:s2] =	dma.local @!p0 [hbm:s0], s1  }
0x168: {  	s0 =	simm.s32 @!p0 $0x7  }
0x169: {  	_ =	swait.ge @!p0 [sflag:s0], s1  }
0x16a: {  	s1 =	ssub.s32 @!p0 $0x0, s1;
	[sflag:s0] =	ssyncset.done @!p0 $0x0  }
0x16b: {  	[sflag:s0] =	ssyncadd.s32 @!p0 s1  }
0x16c: {  	[bflag:$0x3] =	sbarrier.arrive $0xFFFF  }
0x16d: {  	_ =	shalt  }

</sc_bundles>
